<compile_context>
chip_gen: v7x
topology: tpu7x:2x2x1
jax: 0.10.2.dev20260603
libtpu: 0.0.44.dev20260713+nightly
codegen_flags: <defaults>
</compile_context>

<pallas_src>
import functools

import jax
import jax.numpy as jnp
from jax import lax
from jax.experimental import pallas as pl
from jax.experimental.pallas import tpu as pltpu, tpu_sc as plsc

N_NODES = 10000
N_EDGES = 320000
D = 128

NC = 2
NS = 16
NW = NC * NS

CHUNK = 128
E_PER_W = 10240
E_PAD = NW * E_PER_W
EW0 = 17408
EW1 = 2 * E_PER_W - EW0
CHUNKS_PER_W = E_PER_W // CHUNK
N_ACC = 10112
ROWS_PER_TEC = N_ACC // NS
DEG_W = 16
STAGE = 16


def _sc_aggregate(x, src2d, dst2d, zrows):
    mesh = plsc.VectorSubcoreMesh(
        core_axis_name="c", subcore_axis_name="s", num_cores=NC, num_subcores=NS
    )

    @functools.partial(
        pl.kernel,
        out_type=jax.ShapeDtypeStruct((NC * N_ACC, D), jnp.float32),
        mesh=mesh,
        scratch_types=[
            pltpu.VMEM_SHARED((N_ACC, D), jnp.float32),
            pltpu.VMEM((CHUNK,), jnp.int32),
            pltpu.VMEM((CHUNK,), jnp.int32),
            pltpu.VMEM((CHUNK,), jnp.int32),
            pltpu.VMEM((CHUNK,), jnp.int32),
            pltpu.VMEM((CHUNK, D), jnp.float32),
            pltpu.VMEM((CHUNK, D), jnp.float32),
            pltpu.SemaphoreType.DMA,
            pltpu.SemaphoreType.DMA,
        ],
    )
    def agg_kernel(x_hbm, src_hbm, dst_hbm, zr_hbm,
                   agg_hbm,
                   acc_sh, src_a, dst_a, src_b, dst_b, rows_a, rows_b,
                   sem_a, sem_b):
        c = lax.axis_index("c")
        s = lax.axis_index("s")
        wid = c * NS + s
        acc_base = s * ROWS_PER_TEC
        out_base = c * N_ACC + s * ROWS_PER_TEC
        pieces = [(0, CHUNK), (CHUNK, CHUNK), (2 * CHUNK, CHUNK),
                  (3 * CHUNK, CHUNK), (4 * CHUNK, ROWS_PER_TEC - 4 * CHUNK)]

        pltpu.sync_copy(zr_hbm, rows_a)
        for off, sz in pieces:
            pltpu.sync_copy(rows_a.at[pl.ds(0, sz)],
                            acc_sh.at[pl.ds(acc_base + off, sz)])
        plsc.subcore_barrier()

        ew = jnp.where(c == 0, EW0, EW1)
        nloop = jnp.where(c == 0, EW0 // (2 * CHUNK), EW1 // (2 * CHUNK))
        ebase = c * NS * EW0 + s * ew
        pltpu.sync_copy(src_hbm.at[pl.ds(ebase, CHUNK)], src_a)
        pltpu.sync_copy(dst_hbm.at[pl.ds(ebase, CHUNK)], dst_a)
        pltpu.async_copy(x_hbm.at[src_a], rows_a, sem_a)

        @pl.loop(0, nloop)
        def chunk_body(g):
            b1 = ebase + (2 * g + 1) * CHUNK
            pltpu.sync_copy(src_hbm.at[pl.ds(b1, CHUNK)], src_b)
            pltpu.sync_copy(dst_hbm.at[pl.ds(b1, CHUNK)], dst_b)
            pltpu.async_copy(x_hbm.at[src_b], rows_b, sem_b)
            pltpu.make_async_copy(x_hbm.at[src_a], rows_a, sem_a).wait()
            pltpu.sync_copy(rows_a, acc_sh.at[dst_a], add=True)
            b2 = ebase + (2 * g + 2) * CHUNK
            pltpu.sync_copy(src_hbm.at[pl.ds(b2, CHUNK)], src_a)
            pltpu.sync_copy(dst_hbm.at[pl.ds(b2, CHUNK)], dst_a)
            pltpu.async_copy(x_hbm.at[src_a], rows_a, sem_a)
            pltpu.make_async_copy(x_hbm.at[src_b], rows_b, sem_b).wait()
            pltpu.sync_copy(rows_b, acc_sh.at[dst_b], add=True)

        pltpu.make_async_copy(x_hbm.at[src_a], rows_a, sem_a).wait()
        plsc.subcore_barrier()
        for off, sz in pieces:
            pltpu.sync_copy(acc_sh.at[pl.ds(acc_base + off, sz)],
                            rows_a.at[pl.ds(0, sz)])
            pltpu.sync_copy(rows_a.at[pl.ds(0, sz)],
                            agg_hbm.at[pl.ds(out_base + off, sz)])

    return agg_kernel(x, src2d, dst2d, zrows)


def _sc_degree(dst1d, zrows, ones):
    mesh = plsc.VectorSubcoreMesh(
        core_axis_name="c", subcore_axis_name="s", num_cores=NC, num_subcores=NS
    )

    @functools.partial(
        pl.kernel,
        out_type=jax.ShapeDtypeStruct((NC * N_ACC, D), jnp.float32),
        mesh=mesh,
        scratch_types=[
            pltpu.VMEM_SHARED((N_ACC, D), jnp.float32),
            pltpu.VMEM((CHUNK,), jnp.int32),
            pltpu.VMEM((CHUNK, D), jnp.float32),
        ],
    )
    def deg_kernel(dst_hbm, zd_hbm, ones_hbm, deg_hbm, deg_sh, dst_v, ones_v):
        c = lax.axis_index("c")
        s = lax.axis_index("s")
        wid = c * NS + s
        acc_base = s * ROWS_PER_TEC
        out_base = c * N_ACC + s * ROWS_PER_TEC
        pieces = [(0, CHUNK), (CHUNK, CHUNK), (2 * CHUNK, CHUNK),
                  (3 * CHUNK, CHUNK), (4 * CHUNK, ROWS_PER_TEC - 4 * CHUNK)]

        pltpu.sync_copy(zd_hbm, ones_v)
        for off, sz in pieces:
            pltpu.sync_copy(ones_v.at[pl.ds(0, sz)],
                            deg_sh.at[pl.ds(acc_base + off, sz)])
        pltpu.sync_copy(ones_hbm, ones_v)
        plsc.subcore_barrier()

        @pl.loop(0, CHUNKS_PER_W)
        def chunk_body(j):
            base = wid * E_PER_W + j * CHUNK
            pltpu.sync_copy(dst_hbm.at[pl.ds(base, CHUNK)], dst_v)
            pltpu.sync_copy(ones_v, deg_sh.at[dst_v], add=True)

        plsc.subcore_barrier()
        for off, sz in pieces:
            pltpu.sync_copy(deg_sh.at[pl.ds(acc_base + off, sz)],
                            ones_v.at[pl.ds(0, sz)])
            pltpu.sync_copy(ones_v.at[pl.ds(0, sz)],
                            deg_hbm.at[pl.ds(out_base + off, sz)])

    return deg_kernel(dst1d, zrows, ones)


def _tc_combine(x, a0, a1, d0, d1, W_neigh, W_self, b2d, bias2d):
    R = 400
    grid = (N_NODES // R,)

    def body(x_ref, a0_ref, a1_ref, d0_ref, d1_ref, wn_ref, ws_ref,
             b_ref, bias_ref, o_ref):
        deg = d0_ref[:, :1] + d1_ref[:, :1]
        inv = 1.0 / jnp.maximum(deg, 1.0)
        mean = (a0_ref[...] + a1_ref[...]) * inv
        hn = lax.dot_general(mean, wn_ref[...], (((1,), (1,)), ((), ())),
                             preferred_element_type=jnp.float32)
        hs = lax.dot_general(x_ref[...], ws_ref[...], (((1,), (1,)), ((), ())),
                             preferred_element_type=jnp.float32)
        o_ref[...] = hs + hn + b_ref[...] + bias_ref[...]

    row_spec = pl.BlockSpec((R, D), lambda i: (i, 0))
    deg_spec = pl.BlockSpec((R, D), lambda i: (i, 0))
    full_spec = pl.BlockSpec((D, D), lambda i: (0, 0))
    vec_spec = pl.BlockSpec((1, D), lambda i: (0, 0))

    return pl.pallas_call(
        body,
        grid=grid,
        in_specs=[row_spec, row_spec, row_spec, deg_spec, deg_spec,
                  full_spec, full_spec, vec_spec, vec_spec],
        out_specs=row_spec,
        out_shape=jax.ShapeDtypeStruct((N_NODES, D), jnp.float32),
    )(x, a0, a1, d0, d1, W_neigh, W_self, b2d, bias2d)


def kernel(x, edge_index, W_neigh, W_self, b_self, bias):
    src = edge_index[0].astype(jnp.int32)
    dst = edge_index[1].astype(jnp.int32)
    n_pad = E_PAD - N_EDGES + CHUNK
    src2d = jnp.concatenate([src, jnp.zeros((n_pad,), jnp.int32)])
    dst2d = jnp.concatenate([dst, jnp.full((n_pad,), N_NODES, jnp.int32)])
    zrows = jnp.zeros((CHUNK, D), jnp.float32)
    ones = jnp.ones((CHUNK, D), jnp.float32)

    agg = _sc_aggregate(x, src2d, dst2d, zrows)
    deg = _sc_degree(dst2d, zrows, ones)

    a0 = agg[:N_NODES]
    a1 = agg[N_ACC:N_ACC + N_NODES]
    d0 = deg[:N_NODES]
    d1 = deg[N_ACC:N_ACC + N_NODES]
    b2d = b_self.reshape(1, D)
    bias2d = bias.reshape(1, D)
    return _tc_combine(x, a0, a1, d0, d1, W_neigh, W_self, b2d, bias2d)

# --- scband reference (transcript-rebuilt; emitter-appended) ---
"""Pipeline reference for scband-dga-75591424410317 (READ-ONLY COPY).

The authoritative reference and input builder live on the scoring server;
editing this copy changes nothing except your own understanding.
"""

import jax, jax.numpy as jnp
import numpy as np

N_NODES = 10000
N_EDGES = 320000
D_FEAT = 128
D_HID = 128


def setup_inputs(seed: int = 0) -> dict:
    key = jax.random.key(seed)
    k1, k2, k3, k4, k5, k6 = jax.random.split(key, 6)
    x = jax.random.normal(k1, (N_NODES, D_FEAT), dtype=jnp.float32)
    edge_index = jax.random.randint(k2, (2, N_EDGES), 0, N_NODES, dtype=jnp.int64)
    # Xavier-uniform for fc_neigh (gain for relu), default-ish init for fc_self
    gain = float(np.sqrt(2.0))
    limit_n = gain * float(np.sqrt(6.0 / (D_FEAT + D_HID)))
    W_neigh = jax.random.uniform(k3, (D_HID, D_FEAT), minval=-limit_n, maxval=limit_n, dtype=jnp.float32)
    limit_s = float(1.0 / np.sqrt(D_FEAT))
    W_self = jax.random.uniform(k4, (D_HID, D_FEAT), minval=-limit_s, maxval=limit_s, dtype=jnp.float32)
    b_self = jax.random.uniform(k5, (D_HID,), minval=-limit_s, maxval=limit_s, dtype=jnp.float32)
    bias = jnp.zeros((D_HID,), dtype=jnp.float32)
    return {"x": x, "edge_index": edge_index, "W_neigh": W_neigh, "W_self": W_self, "b_self": b_self, "bias": bias}


def reference(x, edge_index, W_neigh, W_self, b_self, bias):
    # IntraConv_single (GraphSAGE-style mean aggregation), no edge_weight branch.
    src = edge_index[0]
    dst = edge_index[1]
    N = x.shape[0]
    # lin_before_mp = in_feats > out_feats -> False (128 == 128), so aggregate raw feats
    msgs = jnp.take(x, src, axis=0)                                   # gather src features [E, d]
    agg = jax.ops.segment_sum(msgs, dst, num_segments=N)              # scatter-add to dst nodes
    deg = jax.ops.segment_sum(jnp.ones((src.shape[0],), dtype=x.dtype), dst, num_segments=N)
    h_neigh = agg / jnp.maximum(deg, 1.0)[:, None]                    # mean (0 for isolated nodes)
    h_neigh = h_neigh @ W_neigh.T                                     # fc_neigh (no bias)
    h_self = x @ W_self.T + b_self                                    # fc_self
    rst = h_self + h_neigh                                            # add_self=True
    rst = rst + bias                                                  # module-level bias param
    return rst

if __name__ == "__main__":
    import jax
    _d = setup_inputs()
    print(jax.jit(kernel)(*tuple(_d.values())))

</pallas_src>

<mosaic_0001>
#map = affine_map<(d0, d1) -> (0, 0)>
#map1 = affine_map<(d0, d1) -> (0)>
module attributes {stable_mosaic.version = 14 : i64} {
  func.func @agg_kernel(%arg0: i32, %arg1: i32, %arg2: memref<10000x128xf32, #tpu.memory_space<hbm>>, %arg3: memref<327808xi32, #tpu.memory_space<hbm>>, %arg4: memref<327808xi32, #tpu.memory_space<hbm>>, %arg5: memref<128x128xf32, #tpu.memory_space<hbm>>, %arg6: memref<20224x128xf32, #tpu.memory_space<hbm>>, %arg7: memref<10112x128xf32, #tpu.memory_space<vmem_shared>>, %arg8: memref<128xi32, #tpu.memory_space<vmem>>, %arg9: memref<128xi32, #tpu.memory_space<vmem>>, %arg10: memref<128xi32, #tpu.memory_space<vmem>>, %arg11: memref<128xi32, #tpu.memory_space<vmem>>, %arg12: memref<128x128xf32, #tpu.memory_space<vmem>>, %arg13: memref<128x128xf32, #tpu.memory_space<vmem>>, %arg14: memref<!tpu.dma_semaphore, #tpu.memory_space<semaphore_mem>>, %arg15: memref<!tpu.dma_semaphore, #tpu.memory_space<semaphore_mem>>) attributes {dimension_semantics = [#tpu.dimension_semantics<core_parallel>, #tpu.dimension_semantics<subcore_parallel>], iteration_bounds = array<i64: 2, 16>, scalar_prefetch = 0 : i64, scratch_operands = 9 : i64, tpu.core_type = #tpu.core_type<sc_vector_subcore>, window_params = [{transform_indices = #map}, {transform_indices = #map1}, {transform_indices = #map1}, {transform_indices = #map}, {transform_indices = #map}]} {
    %mul3A = arith.constant 16 : i32
    %mul3A_0 = arith.muli %arg0, %mul3A : i32
    %add3A = arith.addi %mul3A_0, %arg1 : i32
    %mul3A_1 = arith.constant 632 : i32
    %mul3A_2 = arith.muli %arg1, %mul3A_1 : i32
    %mul3A_3 = arith.constant 10112 : i32
    %mul3A_4 = arith.muli %arg0, %mul3A_3 : i32
    %mul3A_5 = arith.constant 632 : i32
    %mul3A_6 = arith.muli %arg1, %mul3A_5 : i32
    %add3A_7 = arith.addi %mul3A_4, %mul3A_6 : i32
    "tpu.region"() ({
      %run_scoped3A = tpu.sem_alloc : memref<!tpu.dma_semaphore, #tpu.memory_space<semaphore_mem>>
      tpu.enqueue_dma source(%arg5 : memref<128x128xf32, #tpu.memory_space<hbm>>) target(%arg12 : memref<128x128xf32, #tpu.memory_space<vmem>>) target_semaphore(%run_scoped3A : memref<!tpu.dma_semaphore, #tpu.memory_space<semaphore_mem>>)
      tpu.wait_dma2 semaphore(%run_scoped3A : memref<!tpu.dma_semaphore, #tpu.memory_space<semaphore_mem>>) src(%arg5 : memref<128x128xf32, #tpu.memory_space<hbm>>) dst(%arg12 : memref<128x128xf32, #tpu.memory_space<vmem>>)
      tpu.yield
    }) : () -> ()
    %add3A_8 = arith.constant 0 : i32
    %add3A_9 = arith.addi %mul3A_2, %add3A_8 : i32
    "tpu.region"() ({
      %run_scoped3A = tpu.sem_alloc : memref<!tpu.dma_semaphore, #tpu.memory_space<semaphore_mem>>
      %dma_start3A_72 = arith.constant 0 : i32
      %dma_start3A_73 = arith.constant 0 : i32
      %dma_start3A_74 = tpu.memref_slice %arg12[%dma_start3A_72, %dma_start3A_73] : memref<128x128xf32, #tpu.memory_space<vmem>> -> memref<128x128xf32, #tpu.memory_space<vmem>>
      %dma_start3A_75 = arith.constant 0 : i32
      %dma_start3A_76 = tpu.memref_slice %arg7[%add3A_9, %dma_start3A_75] : memref<10112x128xf32, #tpu.memory_space<vmem_shared>> -> memref<128x128xf32, #tpu.memory_space<vmem_shared>>
      %dma_start3A_77 = arith.constant 0 : i32
      %dma_start3A_78 = tpu.memref_slice %arg7[%add3A_9, %dma_start3A_77] : memref<10112x128xf32, #tpu.memory_space<vmem_shared>> -> memref<128x128xf32, #tpu.memory_space<vmem_shared>>
      %dma_start3A_79 = arith.constant 0 : i32
      %dma_start3A_80 = arith.constant 0 : i32
      %dma_start3A_81 = tpu.memref_slice %arg12[%dma_start3A_79, %dma_start3A_80] : memref<128x128xf32, #tpu.memory_space<vmem>> -> memref<128x128xf32, #tpu.memory_space<vmem>>
      tpu.enqueue_dma source(%dma_start3A_81 : memref<128x128xf32, #tpu.memory_space<vmem>>) target(%dma_start3A_78 : memref<128x128xf32, #tpu.memory_space<vmem_shared>>) target_semaphore(%run_scoped3A : memref<!tpu.dma_semaphore, #tpu.memory_space<semaphore_mem>>)
      %dma_wait3A_82 = arith.constant 0 : i32
      %dma_wait3A_83 = arith.constant 0 : i32
      %dma_wait3A_84 = tpu.memref_slice %arg12[%dma_wait3A_82, %dma_wait3A_83] : memref<128x128xf32, #tpu.memory_space<vmem>> -> memref<128x128xf32, #tpu.memory_space<vmem>>
      %dma_wait3A_85 = arith.constant 0 : i32
      %dma_wait3A_86 = tpu.memref_slice %arg7[%add3A_9, %dma_wait3A_85] : memref<10112x128xf32, #tpu.memory_space<vmem_shared>> -> memref<128x128xf32, #tpu.memory_space<vmem_shared>>
      %dma_wait3A_87 = arith.constant 0 : i32
      %dma_wait3A_88 = tpu.memref_slice %arg7[%add3A_9, %dma_wait3A_87] : memref<10112x128xf32, #tpu.memory_space<vmem_shared>> -> memref<128x128xf32, #tpu.memory_space<vmem_shared>>
      %dma_wait3A_89 = arith.constant 0 : i32
      %dma_wait3A_90 = arith.constant 0 : i32
      %dma_wait3A_91 = tpu.memref_slice %arg12[%dma_wait3A_89, %dma_wait3A_90] : memref<128x128xf32, #tpu.memory_space<vmem>> -> memref<128x128xf32, #tpu.memory_space<vmem>>
      tpu.wait_dma2 semaphore(%run_scoped3A : memref<!tpu.dma_semaphore, #tpu.memory_space<semaphore_mem>>) src(%dma_wait3A_91 : memref<128x128xf32, #tpu.memory_space<vmem>>) dst(%dma_wait3A_88 : memref<128x128xf32, #tpu.memory_space<vmem_shared>>)
      tpu.yield
    }) : () -> ()
    %add3A_10 = arith.constant 128 : i32
    %add3A_11 = arith.addi %mul3A_2, %add3A_10 : i32
    "tpu.region"() ({
      %run_scoped3A = tpu.sem_alloc : memref<!tpu.dma_semaphore, #tpu.memory_space<semaphore_mem>>
      %dma_start3A_72 = arith.constant 0 : i32
      %dma_start3A_73 = arith.constant 0 : i32
      %dma_start3A_74 = tpu.memref_slice %arg12[%dma_start3A_72, %dma_start3A_73] : memref<128x128xf32, #tpu.memory_space<vmem>> -> memref<128x128xf32, #tpu.memory_space<vmem>>
      %dma_start3A_75 = arith.constant 0 : i32
      %dma_start3A_76 = tpu.memref_slice %arg7[%add3A_11, %dma_start3A_75] : memref<10112x128xf32, #tpu.memory_space<vmem_shared>> -> memref<128x128xf32, #tpu.memory_space<vmem_shared>>
      %dma_start3A_77 = arith.constant 0 : i32
      %dma_start3A_78 = tpu.memref_slice %arg7[%add3A_11, %dma_start3A_77] : memref<10112x128xf32, #tpu.memory_space<vmem_shared>> -> memref<128x128xf32, #tpu.memory_space<vmem_shared>>
      %dma_start3A_79 = arith.constant 0 : i32
      %dma_start3A_80 = arith.constant 0 : i32
      %dma_start3A_81 = tpu.memref_slice %arg12[%dma_start3A_79, %dma_start3A_80] : memref<128x128xf32, #tpu.memory_space<vmem>> -> memref<128x128xf32, #tpu.memory_space<vmem>>
      tpu.enqueue_dma source(%dma_start3A_81 : memref<128x128xf32, #tpu.memory_space<vmem>>) target(%dma_start3A_78 : memref<128x128xf32, #tpu.memory_space<vmem_shared>>) target_semaphore(%run_scoped3A : memref<!tpu.dma_semaphore, #tpu.memory_space<semaphore_mem>>)
      %dma_wait3A_82 = arith.constant 0 : i32
      %dma_wait3A_83 = arith.constant 0 : i32
      %dma_wait3A_84 = tpu.memref_slice %arg12[%dma_wait3A_82, %dma_wait3A_83] : memref<128x128xf32, #tpu.memory_space<vmem>> -> memref<128x128xf32, #tpu.memory_space<vmem>>
      %dma_wait3A_85 = arith.constant 0 : i32
      %dma_wait3A_86 = tpu.memref_slice %arg7[%add3A_11, %dma_wait3A_85] : memref<10112x128xf32, #tpu.memory_space<vmem_shared>> -> memref<128x128xf32, #tpu.memory_space<vmem_shared>>
      %dma_wait3A_87 = arith.constant 0 : i32
      %dma_wait3A_88 = tpu.memref_slice %arg7[%add3A_11, %dma_wait3A_87] : memref<10112x128xf32, #tpu.memory_space<vmem_shared>> -> memref<128x128xf32, #tpu.memory_space<vmem_shared>>
      %dma_wait3A_89 = arith.constant 0 : i32
      %dma_wait3A_90 = arith.constant 0 : i32
      %dma_wait3A_91 = tpu.memref_slice %arg12[%dma_wait3A_89, %dma_wait3A_90] : memref<128x128xf32, #tpu.memory_space<vmem>> -> memref<128x128xf32, #tpu.memory_space<vmem>>
      tpu.wait_dma2 semaphore(%run_scoped3A : memref<!tpu.dma_semaphore, #tpu.memory_space<semaphore_mem>>) src(%dma_wait3A_91 : memref<128x128xf32, #tpu.memory_space<vmem>>) dst(%dma_wait3A_88 : memref<128x128xf32, #tpu.memory_space<vmem_shared>>)
      tpu.yield
    }) : () -> ()
    %add3A_12 = arith.constant 256 : i32
    %add3A_13 = arith.addi %mul3A_2, %add3A_12 : i32
    "tpu.region"() ({
      %run_scoped3A = tpu.sem_alloc : memref<!tpu.dma_semaphore, #tpu.memory_space<semaphore_mem>>
      %dma_start3A_72 = arith.constant 0 : i32
      %dma_start3A_73 = arith.constant 0 : i32
      %dma_start3A_74 = tpu.memref_slice %arg12[%dma_start3A_72, %dma_start3A_73] : memref<128x128xf32, #tpu.memory_space<vmem>> -> memref<128x128xf32, #tpu.memory_space<vmem>>
      %dma_start3A_75 = arith.constant 0 : i32
      %dma_start3A_76 = tpu.memref_slice %arg7[%add3A_13, %dma_start3A_75] : memref<10112x128xf32, #tpu.memory_space<vmem_shared>> -> memref<128x128xf32, #tpu.memory_space<vmem_shared>>
      %dma_start3A_77 = arith.constant 0 : i32
      %dma_start3A_78 = tpu.memref_slice %arg7[%add3A_13, %dma_start3A_77] : memref<10112x128xf32, #tpu.memory_space<vmem_shared>> -> memref<128x128xf32, #tpu.memory_space<vmem_shared>>
      %dma_start3A_79 = arith.constant 0 : i32
      %dma_start3A_80 = arith.constant 0 : i32
      %dma_start3A_81 = tpu.memref_slice %arg12[%dma_start3A_79, %dma_start3A_80] : memref<128x128xf32, #tpu.memory_space<vmem>> -> memref<128x128xf32, #tpu.memory_space<vmem>>
      tpu.enqueue_dma source(%dma_start3A_81 : memref<128x128xf32, #tpu.memory_space<vmem>>) target(%dma_start3A_78 : memref<128x128xf32, #tpu.memory_space<vmem_shared>>) target_semaphore(%run_scoped3A : memref<!tpu.dma_semaphore, #tpu.memory_space<semaphore_mem>>)
      %dma_wait3A_82 = arith.constant 0 : i32
      %dma_wait3A_83 = arith.constant 0 : i32
      %dma_wait3A_84 = tpu.memref_slice %arg12[%dma_wait3A_82, %dma_wait3A_83] : memref<128x128xf32, #tpu.memory_space<vmem>> -> memref<128x128xf32, #tpu.memory_space<vmem>>
      %dma_wait3A_85 = arith.constant 0 : i32
      %dma_wait3A_86 = tpu.memref_slice %arg7[%add3A_13, %dma_wait3A_85] : memref<10112x128xf32, #tpu.memory_space<vmem_shared>> -> memref<128x128xf32, #tpu.memory_space<vmem_shared>>
      %dma_wait3A_87 = arith.constant 0 : i32
      %dma_wait3A_88 = tpu.memref_slice %arg7[%add3A_13, %dma_wait3A_87] : memref<10112x128xf32, #tpu.memory_space<vmem_shared>> -> memref<128x128xf32, #tpu.memory_space<vmem_shared>>
      %dma_wait3A_89 = arith.constant 0 : i32
      %dma_wait3A_90 = arith.constant 0 : i32
      %dma_wait3A_91 = tpu.memref_slice %arg12[%dma_wait3A_89, %dma_wait3A_90] : memref<128x128xf32, #tpu.memory_space<vmem>> -> memref<128x128xf32, #tpu.memory_space<vmem>>
      tpu.wait_dma2 semaphore(%run_scoped3A : memref<!tpu.dma_semaphore, #tpu.memory_space<semaphore_mem>>) src(%dma_wait3A_91 : memref<128x128xf32, #tpu.memory_space<vmem>>) dst(%dma_wait3A_88 : memref<128x128xf32, #tpu.memory_space<vmem_shared>>)
      tpu.yield
    }) : () -> ()
    %add3A_14 = arith.constant 384 : i32
    %add3A_15 = arith.addi %mul3A_2, %add3A_14 : i32
    "tpu.region"() ({
      %run_scoped3A = tpu.sem_alloc : memref<!tpu.dma_semaphore, #tpu.memory_space<semaphore_mem>>
      %dma_start3A_72 = arith.constant 0 : i32
      %dma_start3A_73 = arith.constant 0 : i32
      %dma_start3A_74 = tpu.memref_slice %arg12[%dma_start3A_72, %dma_start3A_73] : memref<128x128xf32, #tpu.memory_space<vmem>> -> memref<128x128xf32, #tpu.memory_space<vmem>>
      %dma_start3A_75 = arith.constant 0 : i32
      %dma_start3A_76 = tpu.memref_slice %arg7[%add3A_15, %dma_start3A_75] : memref<10112x128xf32, #tpu.memory_space<vmem_shared>> -> memref<128x128xf32, #tpu.memory_space<vmem_shared>>
      %dma_start3A_77 = arith.constant 0 : i32
      %dma_start3A_78 = tpu.memref_slice %arg7[%add3A_15, %dma_start3A_77] : memref<10112x128xf32, #tpu.memory_space<vmem_shared>> -> memref<128x128xf32, #tpu.memory_space<vmem_shared>>
      %dma_start3A_79 = arith.constant 0 : i32
      %dma_start3A_80 = arith.constant 0 : i32
      %dma_start3A_81 = tpu.memref_slice %arg12[%dma_start3A_79, %dma_start3A_80] : memref<128x128xf32, #tpu.memory_space<vmem>> -> memref<128x128xf32, #tpu.memory_space<vmem>>
      tpu.enqueue_dma source(%dma_start3A_81 : memref<128x128xf32, #tpu.memory_space<vmem>>) target(%dma_start3A_78 : memref<128x128xf32, #tpu.memory_space<vmem_shared>>) target_semaphore(%run_scoped3A : memref<!tpu.dma_semaphore, #tpu.memory_space<semaphore_mem>>)
      %dma_wait3A_82 = arith.constant 0 : i32
      %dma_wait3A_83 = arith.constant 0 : i32
      %dma_wait3A_84 = tpu.memref_slice %arg12[%dma_wait3A_82, %dma_wait3A_83] : memref<128x128xf32, #tpu.memory_space<vmem>> -> memref<128x128xf32, #tpu.memory_space<vmem>>
      %dma_wait3A_85 = arith.constant 0 : i32
      %dma_wait3A_86 = tpu.memref_slice %arg7[%add3A_15, %dma_wait3A_85] : memref<10112x128xf32, #tpu.memory_space<vmem_shared>> -> memref<128x128xf32, #tpu.memory_space<vmem_shared>>
      %dma_wait3A_87 = arith.constant 0 : i32
      %dma_wait3A_88 = tpu.memref_slice %arg7[%add3A_15, %dma_wait3A_87] : memref<10112x128xf32, #tpu.memory_space<vmem_shared>> -> memref<128x128xf32, #tpu.memory_space<vmem_shared>>
      %dma_wait3A_89 = arith.constant 0 : i32
      %dma_wait3A_90 = arith.constant 0 : i32
      %dma_wait3A_91 = tpu.memref_slice %arg12[%dma_wait3A_89, %dma_wait3A_90] : memref<128x128xf32, #tpu.memory_space<vmem>> -> memref<128x128xf32, #tpu.memory_space<vmem>>
      tpu.wait_dma2 semaphore(%run_scoped3A : memref<!tpu.dma_semaphore, #tpu.memory_space<semaphore_mem>>) src(%dma_wait3A_91 : memref<128x128xf32, #tpu.memory_space<vmem>>) dst(%dma_wait3A_88 : memref<128x128xf32, #tpu.memory_space<vmem_shared>>)
      tpu.yield
    }) : () -> ()
    %add3A_16 = arith.constant 512 : i32
    %add3A_17 = arith.addi %mul3A_2, %add3A_16 : i32
    "tpu.region"() ({
      %run_scoped3A = tpu.sem_alloc : memref<!tpu.dma_semaphore, #tpu.memory_space<semaphore_mem>>
      %dma_start3A_72 = arith.constant 0 : i32
      %dma_start3A_73 = arith.constant 0 : i32
      %dma_start3A_74 = tpu.memref_slice %arg12[%dma_start3A_72, %dma_start3A_73] : memref<128x128xf32, #tpu.memory_space<vmem>> -> memref<120x128xf32, #tpu.memory_space<vmem>>
      %dma_start3A_75 = arith.constant 0 : i32
      %dma_start3A_76 = tpu.memref_slice %arg7[%add3A_17, %dma_start3A_75] : memref<10112x128xf32, #tpu.memory_space<vmem_shared>> -> memref<120x128xf32, #tpu.memory_space<vmem_shared>>
      %dma_start3A_77 = arith.constant 0 : i32
      %dma_start3A_78 = tpu.memref_slice %arg7[%add3A_17, %dma_start3A_77] : memref<10112x128xf32, #tpu.memory_space<vmem_shared>> -> memref<120x128xf32, #tpu.memory_space<vmem_shared>>
      %dma_start3A_79 = arith.constant 0 : i32
      %dma_start3A_80 = arith.constant 0 : i32
      %dma_start3A_81 = tpu.memref_slice %arg12[%dma_start3A_79, %dma_start3A_80] : memref<128x128xf32, #tpu.memory_space<vmem>> -> memref<120x128xf32, #tpu.memory_space<vmem>>
      tpu.enqueue_dma source(%dma_start3A_81 : memref<120x128xf32, #tpu.memory_space<vmem>>) target(%dma_start3A_78 : memref<120x128xf32, #tpu.memory_space<vmem_shared>>) target_semaphore(%run_scoped3A : memref<!tpu.dma_semaphore, #tpu.memory_space<semaphore_mem>>)
      %dma_wait3A_82 = arith.constant 0 : i32
      %dma_wait3A_83 = arith.constant 0 : i32
      %dma_wait3A_84 = tpu.memref_slice %arg12[%dma_wait3A_82, %dma_wait3A_83] : memref<128x128xf32, #tpu.memory_space<vmem>> -> memref<120x128xf32, #tpu.memory_space<vmem>>
      %dma_wait3A_85 = arith.constant 0 : i32
      %dma_wait3A_86 = tpu.memref_slice %arg7[%add3A_17, %dma_wait3A_85] : memref<10112x128xf32, #tpu.memory_space<vmem_shared>> -> memref<120x128xf32, #tpu.memory_space<vmem_shared>>
      %dma_wait3A_87 = arith.constant 0 : i32
      %dma_wait3A_88 = tpu.memref_slice %arg7[%add3A_17, %dma_wait3A_87] : memref<10112x128xf32, #tpu.memory_space<vmem_shared>> -> memref<120x128xf32, #tpu.memory_space<vmem_shared>>
      %dma_wait3A_89 = arith.constant 0 : i32
      %dma_wait3A_90 = arith.constant 0 : i32
      %dma_wait3A_91 = tpu.memref_slice %arg12[%dma_wait3A_89, %dma_wait3A_90] : memref<128x128xf32, #tpu.memory_space<vmem>> -> memref<120x128xf32, #tpu.memory_space<vmem>>
      tpu.wait_dma2 semaphore(%run_scoped3A : memref<!tpu.dma_semaphore, #tpu.memory_space<semaphore_mem>>) src(%dma_wait3A_91 : memref<120x128xf32, #tpu.memory_space<vmem>>) dst(%dma_wait3A_88 : memref<120x128xf32, #tpu.memory_space<vmem_shared>>)
      tpu.yield
    }) : () -> ()
    %barrier3A = arith.constant 0 : index
    tpu.barrier barrier_id(%barrier3A)
    %eq3A = arith.constant 0 : i32
    %eq3A_18 = arith.cmpi eq, %arg0, %eq3A : i32
    %jit3A = arith.constant 17408 : i32
    %jit3A_19 = arith.constant 3072 : i32
    %select_n3A = arith.select %eq3A_18, %jit3A, %jit3A_19 : i32
    %eq3A_20 = arith.constant 0 : i32
    %eq3A_21 = arith.cmpi eq, %arg0, %eq3A_20 : i32
    %jit3A_22 = arith.constant 68 : i32
    %jit3A_23 = arith.constant 12 : i32
    %select_n3A_24 = arith.select %eq3A_21, %jit3A_22, %jit3A_23 : i32
    %mul3A_25 = arith.constant 16 : i32
    %mul3A_26 = arith.muli %arg0, %mul3A_25 : i32
    %mul3A_27 = arith.constant 17408 : i32
    %mul3A_28 = arith.muli %mul3A_26, %mul3A_27 : i32
    %mul3A_29 = arith.muli %arg1, %select_n3A : i32
    %add3A_30 = arith.addi %mul3A_28, %mul3A_29 : i32
    "tpu.region"() ({
      %run_scoped3A = tpu.sem_alloc : memref<!tpu.dma_semaphore, #tpu.memory_space<semaphore_mem>>
      %dma_start3A_72 = tpu.memref_slice %arg3[%add3A_30] : memref<327808xi32, #tpu.memory_space<hbm>> -> memref<128xi32, #tpu.memory_space<hbm>>
      %dma_start3A_73 = tpu.memref_slice %arg3[%add3A_30] : memref<327808xi32, #tpu.memory_space<hbm>> -> memref<128xi32, #tpu.memory_space<hbm>>
      tpu.enqueue_dma source(%dma_start3A_73 : memref<128xi32, #tpu.memory_space<hbm>>) target(%arg8 : memref<128xi32, #tpu.memory_space<vmem>>) target_semaphore(%run_scoped3A : memref<!tpu.dma_semaphore, #tpu.memory_space<semaphore_mem>>)
      %dma_wait3A_74 = tpu.memref_slice %arg3[%add3A_30] : memref<327808xi32, #tpu.memory_space<hbm>> -> memref<128xi32, #tpu.memory_space<hbm>>
      %dma_wait3A_75 = tpu.memref_slice %arg3[%add3A_30] : memref<327808xi32, #tpu.memory_space<hbm>> -> memref<128xi32, #tpu.memory_space<hbm>>
      tpu.wait_dma2 semaphore(%run_scoped3A : memref<!tpu.dma_semaphore, #tpu.memory_space<semaphore_mem>>) src(%dma_wait3A_75 : memref<128xi32, #tpu.memory_space<hbm>>) dst(%arg8 : memref<128xi32, #tpu.memory_space<vmem>>)
      tpu.yield
    }) : () -> ()
    "tpu.region"() ({
      %run_scoped3A = tpu.sem_alloc : memref<!tpu.dma_semaphore, #tpu.memory_space<semaphore_mem>>
      %dma_start3A_72 = tpu.memref_slice %arg4[%add3A_30] : memref<327808xi32, #tpu.memory_space<hbm>> -> memref<128xi32, #tpu.memory_space<hbm>>
      %dma_start3A_73 = tpu.memref_slice %arg4[%add3A_30] : memref<327808xi32, #tpu.memory_space<hbm>> -> memref<128xi32, #tpu.memory_space<hbm>>
      tpu.enqueue_dma source(%dma_start3A_73 : memref<128xi32, #tpu.memory_space<hbm>>) target(%arg9 : memref<128xi32, #tpu.memory_space<vmem>>) target_semaphore(%run_scoped3A : memref<!tpu.dma_semaphore, #tpu.memory_space<semaphore_mem>>)
      %dma_wait3A_74 = tpu.memref_slice %arg4[%add3A_30] : memref<327808xi32, #tpu.memory_space<hbm>> -> memref<128xi32, #tpu.memory_space<hbm>>
      %dma_wait3A_75 = tpu.memref_slice %arg4[%add3A_30] : memref<327808xi32, #tpu.memory_space<hbm>> -> memref<128xi32, #tpu.memory_space<hbm>>
      tpu.wait_dma2 semaphore(%run_scoped3A : memref<!tpu.dma_semaphore, #tpu.memory_space<semaphore_mem>>) src(%dma_wait3A_75 : memref<128xi32, #tpu.memory_space<hbm>>) dst(%arg9 : memref<128xi32, #tpu.memory_space<vmem>>)
      tpu.yield
    }) : () -> ()
    %dma_start3A = arith.constant 0 : i32
    %dma_start3A_31 = arith.constant 0 : i32
    %dma_start3A_32 = tpu.memref_slice %arg2[%dma_start3A, %dma_start3A_31] : memref<10000x128xf32, #tpu.memory_space<hbm>> -> memref<10000x128xf32, #tpu.memory_space<hbm>>
    tpu.enqueue_indirect_dma source(%dma_start3A_32 : memref<10000x128xf32, #tpu.memory_space<hbm>>) target(%arg12 : memref<128x128xf32, #tpu.memory_space<vmem>>) offsets(%arg8 : memref<128xi32, #tpu.memory_space<vmem>>) semaphore(%arg14 : memref<!tpu.dma_semaphore, #tpu.memory_space<semaphore_mem>>)
    %sub3A = arith.constant 0 : i32
    %sub3A_33 = arith.subi %select_n3A_24, %sub3A : i32
    %sub3A_34 = arith.constant 1 : i32
    %sub3A_35 = arith.constant 1 : i32
    %sub3A_36 = arith.subi %sub3A_34, %sub3A_35 : i32
    %add3A_37 = arith.addi %sub3A_33, %sub3A_36 : i32
    %div3A = arith.constant 1 : i32
    %div3A_38 = arith.divsi %add3A_37, %div3A : i32
    %while3A = arith.constant 1 : i32
    %while3A_39 = arith.constant 0 : i32
    %while3A_40 = arith.constant 0 : i32
    %while3A_41 = arith.subi %div3A_38, %while3A_40 : i32
    %while3A_42 = arith.addi %while3A_40, %while3A_41 : i32
    %while3A_43 = arith.constant 1 : i32
    %while3A_44 = arith.divsi %while3A_41, %while3A_43 : i32
    %while3A_45 = arith.muli %while3A_44, %while3A_43 : i32
    %while3A_46 = arith.addi %while3A_40, %while3A_45 : i32
    %while3A_47 = arith.constant 1 : i32
    scf.for %while3A_72 = %while3A_40 to %while3A_46 step %while3A_47  : i32 {
      %mul3A_73 = arith.muli %while3A_72, %while3A : i32
      %add3A_74 = arith.addi %while3A_39, %mul3A_73 : i32
      %mul3A_75 = arith.constant 2 : i32
      %mul3A_76 = arith.muli %mul3A_75, %add3A_74 : i32
      %add3A_77 = arith.constant 1 : i32
      %add3A_78 = arith.addi %mul3A_76, %add3A_77 : i32
      %mul3A_79 = arith.constant 128 : i32
      %mul3A_80 = arith.muli %add3A_78, %mul3A_79 : i32
      %add3A_81 = arith.addi %add3A_30, %mul3A_80 : i32
      "tpu.region"() ({
        %run_scoped3A = tpu.sem_alloc : memref<!tpu.dma_semaphore, #tpu.memory_space<semaphore_mem>>
        %dma_start3A_101 = tpu.memref_slice %arg3[%add3A_81] : memref<327808xi32, #tpu.memory_space<hbm>> -> memref<128xi32, #tpu.memory_space<hbm>>
        %dma_start3A_102 = tpu.memref_slice %arg3[%add3A_81] : memref<327808xi32, #tpu.memory_space<hbm>> -> memref<128xi32, #tpu.memory_space<hbm>>
        tpu.enqueue_dma source(%dma_start3A_102 : memref<128xi32, #tpu.memory_space<hbm>>) target(%arg10 : memref<128xi32, #tpu.memory_space<vmem>>) target_semaphore(%run_scoped3A : memref<!tpu.dma_semaphore, #tpu.memory_space<semaphore_mem>>)
        %dma_wait3A_103 = tpu.memref_slice %arg3[%add3A_81] : memref<327808xi32, #tpu.memory_space<hbm>> -> memref<128xi32, #tpu.memory_space<hbm>>
        %dma_wait3A_104 = tpu.memref_slice %arg3[%add3A_81] : memref<327808xi32, #tpu.memory_space<hbm>> -> memref<128xi32, #tpu.memory_space<hbm>>
        tpu.wait_dma2 semaphore(%run_scoped3A : memref<!tpu.dma_semaphore, #tpu.memory_space<semaphore_mem>>) src(%dma_wait3A_104 : memref<128xi32, #tpu.memory_space<hbm>>) dst(%arg10 : memref<128xi32, #tpu.memory_space<vmem>>)
        tpu.yield
      }) : () -> ()
      "tpu.region"() ({
        %run_scoped3A = tpu.sem_alloc : memref<!tpu.dma_semaphore, #tpu.memory_space<semaphore_mem>>
        %dma_start3A_101 = tpu.memref_slice %arg4[%add3A_81] : memref<327808xi32, #tpu.memory_space<hbm>> -> memref<128xi32, #tpu.memory_space<hbm>>
        %dma_start3A_102 = tpu.memref_slice %arg4[%add3A_81] : memref<327808xi32, #tpu.memory_space<hbm>> -> memref<128xi32, #tpu.memory_space<hbm>>
        tpu.enqueue_dma source(%dma_start3A_102 : memref<128xi32, #tpu.memory_space<hbm>>) target(%arg11 : memref<128xi32, #tpu.memory_space<vmem>>) target_semaphore(%run_scoped3A : memref<!tpu.dma_semaphore, #tpu.memory_space<semaphore_mem>>)
        %dma_wait3A_103 = tpu.memref_slice %arg4[%add3A_81] : memref<327808xi32, #tpu.memory_space<hbm>> -> memref<128xi32, #tpu.memory_space<hbm>>
        %dma_wait3A_104 = tpu.memref_slice %arg4[%add3A_81] : memref<327808xi32, #tpu.memory_space<hbm>> -> memref<128xi32, #tpu.memory_space<hbm>>
        tpu.wait_dma2 semaphore(%run_scoped3A : memref<!tpu.dma_semaphore, #tpu.memory_space<semaphore_mem>>) src(%dma_wait3A_104 : memref<128xi32, #tpu.memory_space<hbm>>) dst(%arg11 : memref<128xi32, #tpu.memory_space<vmem>>)
        tpu.yield
      }) : () -> ()
      %dma_start3A_82 = arith.constant 0 : i32
      %dma_start3A_83 = arith.constant 0 : i32
      %dma_start3A_84 = tpu.memref_slice %arg2[%dma_start3A_82, %dma_start3A_83] : memref<10000x128xf32, #tpu.memory_space<hbm>> -> memref<10000x128xf32, #tpu.memory_space<hbm>>
      tpu.enqueue_indirect_dma source(%dma_start3A_84 : memref<10000x128xf32, #tpu.memory_space<hbm>>) target(%arg13 : memref<128x128xf32, #tpu.memory_space<vmem>>) offsets(%arg10 : memref<128xi32, #tpu.memory_space<vmem>>) semaphore(%arg15 : memref<!tpu.dma_semaphore, #tpu.memory_space<semaphore_mem>>)
      %dma_wait3A_85 = arith.constant 0 : i32
      %dma_wait3A_86 = arith.constant 0 : i32
      %dma_wait3A_87 = tpu.memref_slice %arg2[%dma_wait3A_85, %dma_wait3A_86] : memref<10000x128xf32, #tpu.memory_space<hbm>> -> memref<10000x128xf32, #tpu.memory_space<hbm>>
      tpu.wait_indirect_dma semaphore(%arg14 : memref<!tpu.dma_semaphore, #tpu.memory_space<semaphore_mem>>) src(%dma_wait3A_87 : memref<10000x128xf32, #tpu.memory_space<hbm>>) dst(%arg12 : memref<128x128xf32, #tpu.memory_space<vmem>>)
      "tpu.region"() ({
        %run_scoped3A = tpu.sem_alloc : memref<!tpu.dma_semaphore, #tpu.memory_space<semaphore_mem>>
        %dma_start3A_101 = arith.constant 0 : i32
        %dma_start3A_102 = arith.constant 0 : i32
        %dma_start3A_103 = tpu.memref_slice %arg7[%dma_start3A_101, %dma_start3A_102] : memref<10112x128xf32, #tpu.memory_space<vmem_shared>> -> memref<10112x128xf32, #tpu.memory_space<vmem_shared>>
        tpu.enqueue_indirect_dma source(%arg12 : memref<128x128xf32, #tpu.memory_space<vmem>>) target(%dma_start3A_103 : memref<10112x128xf32, #tpu.memory_space<vmem_shared>>) offsets(%arg9 : memref<128xi32, #tpu.memory_space<vmem>>) semaphore(%run_scoped3A : memref<!tpu.dma_semaphore, #tpu.memory_space<semaphore_mem>>) {add = true}
        %dma_wait3A_104 = arith.constant 0 : i32
        %dma_wait3A_105 = arith.constant 0 : i32
        %dma_wait3A_106 = tpu.memref_slice %arg7[%dma_wait3A_104, %dma_wait3A_105] : memref<10112x128xf32, #tpu.memory_space<vmem_shared>> -> memref<10112x128xf32, #tpu.memory_space<vmem_shared>>
        tpu.wait_indirect_dma semaphore(%run_scoped3A : memref<!tpu.dma_semaphore, #tpu.memory_space<semaphore_mem>>) src(%arg12 : memref<128x128xf32, #tpu.memory_space<vmem>>) dst(%dma_wait3A_106 : memref<10112x128xf32, #tpu.memory_space<vmem_shared>>)
        tpu.yield
      }) : () -> ()
      %mul3A_88 = arith.constant 2 : i32
      %mul3A_89 = arith.muli %mul3A_88, %add3A_74 : i32
      %add3A_90 = arith.constant 2 : i32
      %add3A_91 = arith.addi %mul3A_89, %add3A_90 : i32
      %mul3A_92 = arith.constant 128 : i32
      %mul3A_93 = arith.muli %add3A_91, %mul3A_92 : i32
      %add3A_94 = arith.addi %add3A_30, %mul3A_93 : i32
      "tpu.region"() ({
        %run_scoped3A = tpu.sem_alloc : memref<!tpu.dma_semaphore, #tpu.memory_space<semaphore_mem>>
        %dma_start3A_101 = tpu.memref_slice %arg3[%add3A_94] : memref<327808xi32, #tpu.memory_space<hbm>> -> memref<128xi32, #tpu.memory_space<hbm>>
        %dma_start3A_102 = tpu.memref_slice %arg3[%add3A_94] : memref<327808xi32, #tpu.memory_space<hbm>> -> memref<128xi32, #tpu.memory_space<hbm>>
        tpu.enqueue_dma source(%dma_start3A_102 : memref<128xi32, #tpu.memory_space<hbm>>) target(%arg8 : memref<128xi32, #tpu.memory_space<vmem>>) target_semaphore(%run_scoped3A : memref<!tpu.dma_semaphore, #tpu.memory_space<semaphore_mem>>)
        %dma_wait3A_103 = tpu.memref_slice %arg3[%add3A_94] : memref<327808xi32, #tpu.memory_space<hbm>> -> memref<128xi32, #tpu.memory_space<hbm>>
        %dma_wait3A_104 = tpu.memref_slice %arg3[%add3A_94] : memref<327808xi32, #tpu.memory_space<hbm>> -> memref<128xi32, #tpu.memory_space<hbm>>
        tpu.wait_dma2 semaphore(%run_scoped3A : memref<!tpu.dma_semaphore, #tpu.memory_space<semaphore_mem>>) src(%dma_wait3A_104 : memref<128xi32, #tpu.memory_space<hbm>>) dst(%arg8 : memref<128xi32, #tpu.memory_space<vmem>>)
        tpu.yield
      }) : () -> ()
      "tpu.region"() ({
        %run_scoped3A = tpu.sem_alloc : memref<!tpu.dma_semaphore, #tpu.memory_space<semaphore_mem>>
        %dma_start3A_101 = tpu.memref_slice %arg4[%add3A_94] : memref<327808xi32, #tpu.memory_space<hbm>> -> memref<128xi32, #tpu.memory_space<hbm>>
        %dma_start3A_102 = tpu.memref_slice %arg4[%add3A_94] : memref<327808xi32, #tpu.memory_space<hbm>> -> memref<128xi32, #tpu.memory_space<hbm>>
        tpu.enqueue_dma source(%dma_start3A_102 : memref<128xi32, #tpu.memory_space<hbm>>) target(%arg9 : memref<128xi32, #tpu.memory_space<vmem>>) target_semaphore(%run_scoped3A : memref<!tpu.dma_semaphore, #tpu.memory_space<semaphore_mem>>)
        %dma_wait3A_103 = tpu.memref_slice %arg4[%add3A_94] : memref<327808xi32, #tpu.memory_space<hbm>> -> memref<128xi32, #tpu.memory_space<hbm>>
        %dma_wait3A_104 = tpu.memref_slice %arg4[%add3A_94] : memref<327808xi32, #tpu.memory_space<hbm>> -> memref<128xi32, #tpu.memory_space<hbm>>
        tpu.wait_dma2 semaphore(%run_scoped3A : memref<!tpu.dma_semaphore, #tpu.memory_space<semaphore_mem>>) src(%dma_wait3A_104 : memref<128xi32, #tpu.memory_space<hbm>>) dst(%arg9 : memref<128xi32, #tpu.memory_space<vmem>>)
        tpu.yield
      }) : () -> ()
      %dma_start3A_95 = arith.constant 0 : i32
      %dma_start3A_96 = arith.constant 0 : i32
      %dma_start3A_97 = tpu.memref_slice %arg2[%dma_start3A_95, %dma_start3A_96] : memref<10000x128xf32, #tpu.memory_space<hbm>> -> memref<10000x128xf32, #tpu.memory_space<hbm>>
      tpu.enqueue_indirect_dma source(%dma_start3A_97 : memref<10000x128xf32, #tpu.memory_space<hbm>>) target(%arg12 : memref<128x128xf32, #tpu.memory_space<vmem>>) offsets(%arg8 : memref<128xi32, #tpu.memory_space<vmem>>) semaphore(%arg14 : memref<!tpu.dma_semaphore, #tpu.memory_space<semaphore_mem>>)
      %dma_wait3A_98 = arith.constant 0 : i32
      %dma_wait3A_99 = arith.constant 0 : i32
      %dma_wait3A_100 = tpu.memref_slice %arg2[%dma_wait3A_98, %dma_wait3A_99] : memref<10000x128xf32, #tpu.memory_space<hbm>> -> memref<10000x128xf32, #tpu.memory_space<hbm>>
      tpu.wait_indirect_dma semaphore(%arg15 : memref<!tpu.dma_semaphore, #tpu.memory_space<semaphore_mem>>) src(%dma_wait3A_100 : memref<10000x128xf32, #tpu.memory_space<hbm>>) dst(%arg13 : memref<128x128xf32, #tpu.memory_space<vmem>>)
      "tpu.region"() ({
        %run_scoped3A = tpu.sem_alloc : memref<!tpu.dma_semaphore, #tpu.memory_space<semaphore_mem>>
        %dma_start3A_101 = arith.constant 0 : i32
        %dma_start3A_102 = arith.constant 0 : i32
        %dma_start3A_103 = tpu.memref_slice %arg7[%dma_start3A_101, %dma_start3A_102] : memref<10112x128xf32, #tpu.memory_space<vmem_shared>> -> memref<10112x128xf32, #tpu.memory_space<vmem_shared>>
        tpu.enqueue_indirect_dma source(%arg13 : memref<128x128xf32, #tpu.memory_space<vmem>>) target(%dma_start3A_103 : memref<10112x128xf32, #tpu.memory_space<vmem_shared>>) offsets(%arg11 : memref<128xi32, #tpu.memory_space<vmem>>) semaphore(%run_scoped3A : memref<!tpu.dma_semaphore, #tpu.memory_space<semaphore_mem>>) {add = true}
        %dma_wait3A_104 = arith.constant 0 : i32
        %dma_wait3A_105 = arith.constant 0 : i32
        %dma_wait3A_106 = tpu.memref_slice %arg7[%dma_wait3A_104, %dma_wait3A_105] : memref<10112x128xf32, #tpu.memory_space<vmem_shared>> -> memref<10112x128xf32, #tpu.memory_space<vmem_shared>>
        tpu.wait_indirect_dma semaphore(%run_scoped3A : memref<!tpu.dma_semaphore, #tpu.memory_space<semaphore_mem>>) src(%arg13 : memref<128x128xf32, #tpu.memory_space<vmem>>) dst(%dma_wait3A_106 : memref<10112x128xf32, #tpu.memory_space<vmem_shared>>)
        tpu.yield
      }) : () -> ()
    }
    %while3A_48 = arith.constant 1 : i32
    scf.for %while3A_72 = %while3A_46 to %while3A_42 step %while3A_48  : i32 {
      %mul3A_73 = arith.muli %while3A_72, %while3A : i32
      %add3A_74 = arith.addi %while3A_39, %mul3A_73 : i32
      %mul3A_75 = arith.constant 2 : i32
      %mul3A_76 = arith.muli %mul3A_75, %add3A_74 : i32
      %add3A_77 = arith.constant 1 : i32
      %add3A_78 = arith.addi %mul3A_76, %add3A_77 : i32
      %mul3A_79 = arith.constant 128 : i32
      %mul3A_80 = arith.muli %add3A_78, %mul3A_79 : i32
      %add3A_81 = arith.addi %add3A_30, %mul3A_80 : i32
      "tpu.region"() ({
        %run_scoped3A = tpu.sem_alloc : memref<!tpu.dma_semaphore, #tpu.memory_space<semaphore_mem>>
        %dma_start3A_101 = tpu.memref_slice %arg3[%add3A_81] : memref<327808xi32, #tpu.memory_space<hbm>> -> memref<128xi32, #tpu.memory_space<hbm>>
        %dma_start3A_102 = tpu.memref_slice %arg3[%add3A_81] : memref<327808xi32, #tpu.memory_space<hbm>> -> memref<128xi32, #tpu.memory_space<hbm>>
        tpu.enqueue_dma source(%dma_start3A_102 : memref<128xi32, #tpu.memory_space<hbm>>) target(%arg10 : memref<128xi32, #tpu.memory_space<vmem>>) target_semaphore(%run_scoped3A : memref<!tpu.dma_semaphore, #tpu.memory_space<semaphore_mem>>)
        %dma_wait3A_103 = tpu.memref_slice %arg3[%add3A_81] : memref<327808xi32, #tpu.memory_space<hbm>> -> memref<128xi32, #tpu.memory_space<hbm>>
        %dma_wait3A_104 = tpu.memref_slice %arg3[%add3A_81] : memref<327808xi32, #tpu.memory_space<hbm>> -> memref<128xi32, #tpu.memory_space<hbm>>
        tpu.wait_dma2 semaphore(%run_scoped3A : memref<!tpu.dma_semaphore, #tpu.memory_space<semaphore_mem>>) src(%dma_wait3A_104 : memref<128xi32, #tpu.memory_space<hbm>>) dst(%arg10 : memref<128xi32, #tpu.memory_space<vmem>>)
        tpu.yield
      }) : () -> ()
      "tpu.region"() ({
        %run_scoped3A = tpu.sem_alloc : memref<!tpu.dma_semaphore, #tpu.memory_space<semaphore_mem>>
        %dma_start3A_101 = tpu.memref_slice %arg4[%add3A_81] : memref<327808xi32, #tpu.memory_space<hbm>> -> memref<128xi32, #tpu.memory_space<hbm>>
        %dma_start3A_102 = tpu.memref_slice %arg4[%add3A_81] : memref<327808xi32, #tpu.memory_space<hbm>> -> memref<128xi32, #tpu.memory_space<hbm>>
        tpu.enqueue_dma source(%dma_start3A_102 : memref<128xi32, #tpu.memory_space<hbm>>) target(%arg11 : memref<128xi32, #tpu.memory_space<vmem>>) target_semaphore(%run_scoped3A : memref<!tpu.dma_semaphore, #tpu.memory_space<semaphore_mem>>)
        %dma_wait3A_103 = tpu.memref_slice %arg4[%add3A_81] : memref<327808xi32, #tpu.memory_space<hbm>> -> memref<128xi32, #tpu.memory_space<hbm>>
        %dma_wait3A_104 = tpu.memref_slice %arg4[%add3A_81] : memref<327808xi32, #tpu.memory_space<hbm>> -> memref<128xi32, #tpu.memory_space<hbm>>
        tpu.wait_dma2 semaphore(%run_scoped3A : memref<!tpu.dma_semaphore, #tpu.memory_space<semaphore_mem>>) src(%dma_wait3A_104 : memref<128xi32, #tpu.memory_space<hbm>>) dst(%arg11 : memref<128xi32, #tpu.memory_space<vmem>>)
        tpu.yield
      }) : () -> ()
      %dma_start3A_82 = arith.constant 0 : i32
      %dma_start3A_83 = arith.constant 0 : i32
      %dma_start3A_84 = tpu.memref_slice %arg2[%dma_start3A_82, %dma_start3A_83] : memref<10000x128xf32, #tpu.memory_space<hbm>> -> memref<10000x128xf32, #tpu.memory_space<hbm>>
      tpu.enqueue_indirect_dma source(%dma_start3A_84 : memref<10000x128xf32, #tpu.memory_space<hbm>>) target(%arg13 : memref<128x128xf32, #tpu.memory_space<vmem>>) offsets(%arg10 : memref<128xi32, #tpu.memory_space<vmem>>) semaphore(%arg15 : memref<!tpu.dma_semaphore, #tpu.memory_space<semaphore_mem>>)
      %dma_wait3A_85 = arith.constant 0 : i32
      %dma_wait3A_86 = arith.constant 0 : i32
      %dma_wait3A_87 = tpu.memref_slice %arg2[%dma_wait3A_85, %dma_wait3A_86] : memref<10000x128xf32, #tpu.memory_space<hbm>> -> memref<10000x128xf32, #tpu.memory_space<hbm>>
      tpu.wait_indirect_dma semaphore(%arg14 : memref<!tpu.dma_semaphore, #tpu.memory_space<semaphore_mem>>) src(%dma_wait3A_87 : memref<10000x128xf32, #tpu.memory_space<hbm>>) dst(%arg12 : memref<128x128xf32, #tpu.memory_space<vmem>>)
      "tpu.region"() ({
        %run_scoped3A = tpu.sem_alloc : memref<!tpu.dma_semaphore, #tpu.memory_space<semaphore_mem>>
        %dma_start3A_101 = arith.constant 0 : i32
        %dma_start3A_102 = arith.constant 0 : i32
        %dma_start3A_103 = tpu.memref_slice %arg7[%dma_start3A_101, %dma_start3A_102] : memref<10112x128xf32, #tpu.memory_space<vmem_shared>> -> memref<10112x128xf32, #tpu.memory_space<vmem_shared>>
        tpu.enqueue_indirect_dma source(%arg12 : memref<128x128xf32, #tpu.memory_space<vmem>>) target(%dma_start3A_103 : memref<10112x128xf32, #tpu.memory_space<vmem_shared>>) offsets(%arg9 : memref<128xi32, #tpu.memory_space<vmem>>) semaphore(%run_scoped3A : memref<!tpu.dma_semaphore, #tpu.memory_space<semaphore_mem>>) {add = true}
        %dma_wait3A_104 = arith.constant 0 : i32
        %dma_wait3A_105 = arith.constant 0 : i32
        %dma_wait3A_106 = tpu.memref_slice %arg7[%dma_wait3A_104, %dma_wait3A_105] : memref<10112x128xf32, #tpu.memory_space<vmem_shared>> -> memref<10112x128xf32, #tpu.memory_space<vmem_shared>>
        tpu.wait_indirect_dma semaphore(%run_scoped3A : memref<!tpu.dma_semaphore, #tpu.memory_space<semaphore_mem>>) src(%arg12 : memref<128x128xf32, #tpu.memory_space<vmem>>) dst(%dma_wait3A_106 : memref<10112x128xf32, #tpu.memory_space<vmem_shared>>)
        tpu.yield
      }) : () -> ()
      %mul3A_88 = arith.constant 2 : i32
      %mul3A_89 = arith.muli %mul3A_88, %add3A_74 : i32
      %add3A_90 = arith.constant 2 : i32
      %add3A_91 = arith.addi %mul3A_89, %add3A_90 : i32
      %mul3A_92 = arith.constant 128 : i32
      %mul3A_93 = arith.muli %add3A_91, %mul3A_92 : i32
      %add3A_94 = arith.addi %add3A_30, %mul3A_93 : i32
      "tpu.region"() ({
        %run_scoped3A = tpu.sem_alloc : memref<!tpu.dma_semaphore, #tpu.memory_space<semaphore_mem>>
        %dma_start3A_101 = tpu.memref_slice %arg3[%add3A_94] : memref<327808xi32, #tpu.memory_space<hbm>> -> memref<128xi32, #tpu.memory_space<hbm>>
        %dma_start3A_102 = tpu.memref_slice %arg3[%add3A_94] : memref<327808xi32, #tpu.memory_space<hbm>> -> memref<128xi32, #tpu.memory_space<hbm>>
        tpu.enqueue_dma source(%dma_start3A_102 : memref<128xi32, #tpu.memory_space<hbm>>) target(%arg8 : memref<128xi32, #tpu.memory_space<vmem>>) target_semaphore(%run_scoped3A : memref<!tpu.dma_semaphore, #tpu.memory_space<semaphore_mem>>)
        %dma_wait3A_103 = tpu.memref_slice %arg3[%add3A_94] : memref<327808xi32, #tpu.memory_space<hbm>> -> memref<128xi32, #tpu.memory_space<hbm>>
        %dma_wait3A_104 = tpu.memref_slice %arg3[%add3A_94] : memref<327808xi32, #tpu.memory_space<hbm>> -> memref<128xi32, #tpu.memory_space<hbm>>
        tpu.wait_dma2 semaphore(%run_scoped3A : memref<!tpu.dma_semaphore, #tpu.memory_space<semaphore_mem>>) src(%dma_wait3A_104 : memref<128xi32, #tpu.memory_space<hbm>>) dst(%arg8 : memref<128xi32, #tpu.memory_space<vmem>>)
        tpu.yield
      }) : () -> ()
      "tpu.region"() ({
        %run_scoped3A = tpu.sem_alloc : memref<!tpu.dma_semaphore, #tpu.memory_space<semaphore_mem>>
        %dma_start3A_101 = tpu.memref_slice %arg4[%add3A_94] : memref<327808xi32, #tpu.memory_space<hbm>> -> memref<128xi32, #tpu.memory_space<hbm>>
        %dma_start3A_102 = tpu.memref_slice %arg4[%add3A_94] : memref<327808xi32, #tpu.memory_space<hbm>> -> memref<128xi32, #tpu.memory_space<hbm>>
        tpu.enqueue_dma source(%dma_start3A_102 : memref<128xi32, #tpu.memory_space<hbm>>) target(%arg9 : memref<128xi32, #tpu.memory_space<vmem>>) target_semaphore(%run_scoped3A : memref<!tpu.dma_semaphore, #tpu.memory_space<semaphore_mem>>)
        %dma_wait3A_103 = tpu.memref_slice %arg4[%add3A_94] : memref<327808xi32, #tpu.memory_space<hbm>> -> memref<128xi32, #tpu.memory_space<hbm>>
        %dma_wait3A_104 = tpu.memref_slice %arg4[%add3A_94] : memref<327808xi32, #tpu.memory_space<hbm>> -> memref<128xi32, #tpu.memory_space<hbm>>
        tpu.wait_dma2 semaphore(%run_scoped3A : memref<!tpu.dma_semaphore, #tpu.memory_space<semaphore_mem>>) src(%dma_wait3A_104 : memref<128xi32, #tpu.memory_space<hbm>>) dst(%arg9 : memref<128xi32, #tpu.memory_space<vmem>>)
        tpu.yield
      }) : () -> ()
      %dma_start3A_95 = arith.constant 0 : i32
      %dma_start3A_96 = arith.constant 0 : i32
      %dma_start3A_97 = tpu.memref_slice %arg2[%dma_start3A_95, %dma_start3A_96] : memref<10000x128xf32, #tpu.memory_space<hbm>> -> memref<10000x128xf32, #tpu.memory_space<hbm>>
      tpu.enqueue_indirect_dma source(%dma_start3A_97 : memref<10000x128xf32, #tpu.memory_space<hbm>>) target(%arg12 : memref<128x128xf32, #tpu.memory_space<vmem>>) offsets(%arg8 : memref<128xi32, #tpu.memory_space<vmem>>) semaphore(%arg14 : memref<!tpu.dma_semaphore, #tpu.memory_space<semaphore_mem>>)
      %dma_wait3A_98 = arith.constant 0 : i32
      %dma_wait3A_99 = arith.constant 0 : i32
      %dma_wait3A_100 = tpu.memref_slice %arg2[%dma_wait3A_98, %dma_wait3A_99] : memref<10000x128xf32, #tpu.memory_space<hbm>> -> memref<10000x128xf32, #tpu.memory_space<hbm>>
      tpu.wait_indirect_dma semaphore(%arg15 : memref<!tpu.dma_semaphore, #tpu.memory_space<semaphore_mem>>) src(%dma_wait3A_100 : memref<10000x128xf32, #tpu.memory_space<hbm>>) dst(%arg13 : memref<128x128xf32, #tpu.memory_space<vmem>>)
      "tpu.region"() ({
        %run_scoped3A = tpu.sem_alloc : memref<!tpu.dma_semaphore, #tpu.memory_space<semaphore_mem>>
        %dma_start3A_101 = arith.constant 0 : i32
        %dma_start3A_102 = arith.constant 0 : i32
        %dma_start3A_103 = tpu.memref_slice %arg7[%dma_start3A_101, %dma_start3A_102] : memref<10112x128xf32, #tpu.memory_space<vmem_shared>> -> memref<10112x128xf32, #tpu.memory_space<vmem_shared>>
        tpu.enqueue_indirect_dma source(%arg13 : memref<128x128xf32, #tpu.memory_space<vmem>>) target(%dma_start3A_103 : memref<10112x128xf32, #tpu.memory_space<vmem_shared>>) offsets(%arg11 : memref<128xi32, #tpu.memory_space<vmem>>) semaphore(%run_scoped3A : memref<!tpu.dma_semaphore, #tpu.memory_space<semaphore_mem>>) {add = true}
        %dma_wait3A_104 = arith.constant 0 : i32
        %dma_wait3A_105 = arith.constant 0 : i32
        %dma_wait3A_106 = tpu.memref_slice %arg7[%dma_wait3A_104, %dma_wait3A_105] : memref<10112x128xf32, #tpu.memory_space<vmem_shared>> -> memref<10112x128xf32, #tpu.memory_space<vmem_shared>>
        tpu.wait_indirect_dma semaphore(%run_scoped3A : memref<!tpu.dma_semaphore, #tpu.memory_space<semaphore_mem>>) src(%arg13 : memref<128x128xf32, #tpu.memory_space<vmem>>) dst(%dma_wait3A_106 : memref<10112x128xf32, #tpu.memory_space<vmem_shared>>)
        tpu.yield
      }) : () -> ()
    }
    %dma_wait3A = arith.constant 0 : i32
    %dma_wait3A_49 = arith.constant 0 : i32
    %dma_wait3A_50 = tpu.memref_slice %arg2[%dma_wait3A, %dma_wait3A_49] : memref<10000x128xf32, #tpu.memory_space<hbm>> -> memref<10000x128xf32, #tpu.memory_space<hbm>>
    tpu.wait_indirect_dma semaphore(%arg14 : memref<!tpu.dma_semaphore, #tpu.memory_space<semaphore_mem>>) src(%dma_wait3A_50 : memref<10000x128xf32, #tpu.memory_space<hbm>>) dst(%arg12 : memref<128x128xf32, #tpu.memory_space<vmem>>)
    %barrier3A_51 = arith.constant 0 : index
    tpu.barrier barrier_id(%barrier3A_51)
    %add3A_52 = arith.constant 0 : i32
    %add3A_53 = arith.addi %mul3A_2, %add3A_52 : i32
    "tpu.region"() ({
      %run_scoped3A = tpu.sem_alloc : memref<!tpu.dma_semaphore, #tpu.memory_space<semaphore_mem>>
      %dma_start3A_72 = arith.constant 0 : i32
      %dma_start3A_73 = arith.constant 0 : i32
      %dma_start3A_74 = tpu.memref_slice %arg12[%dma_start3A_72, %dma_start3A_73] : memref<128x128xf32, #tpu.memory_space<vmem>> -> memref<128x128xf32, #tpu.memory_space<vmem>>
      %dma_start3A_75 = arith.constant 0 : i32
      %dma_start3A_76 = tpu.memref_slice %arg7[%add3A_53, %dma_start3A_75] : memref<10112x128xf32, #tpu.memory_space<vmem_shared>> -> memref<128x128xf32, #tpu.memory_space<vmem_shared>>
      %dma_start3A_77 = arith.constant 0 : i32
      %dma_start3A_78 = arith.constant 0 : i32
      %dma_start3A_79 = tpu.memref_slice %arg12[%dma_start3A_77, %dma_start3A_78] : memref<128x128xf32, #tpu.memory_space<vmem>> -> memref<128x128xf32, #tpu.memory_space<vmem>>
      %dma_start3A_80 = arith.constant 0 : i32
      %dma_start3A_81 = tpu.memref_slice %arg7[%add3A_53, %dma_start3A_80] : memref<10112x128xf32, #tpu.memory_space<vmem_shared>> -> memref<128x128xf32, #tpu.memory_space<vmem_shared>>
      tpu.enqueue_dma source(%dma_start3A_81 : memref<128x128xf32, #tpu.memory_space<vmem_shared>>) target(%dma_start3A_79 : memref<128x128xf32, #tpu.memory_space<vmem>>) target_semaphore(%run_scoped3A : memref<!tpu.dma_semaphore, #tpu.memory_space<semaphore_mem>>)
      %dma_wait3A_82 = arith.constant 0 : i32
      %dma_wait3A_83 = arith.constant 0 : i32
      %dma_wait3A_84 = tpu.memref_slice %arg12[%dma_wait3A_82, %dma_wait3A_83] : memref<128x128xf32, #tpu.memory_space<vmem>> -> memref<128x128xf32, #tpu.memory_space<vmem>>
      %dma_wait3A_85 = arith.constant 0 : i32
      %dma_wait3A_86 = tpu.memref_slice %arg7[%add3A_53, %dma_wait3A_85] : memref<10112x128xf32, #tpu.memory_space<vmem_shared>> -> memref<128x128xf32, #tpu.memory_space<vmem_shared>>
      %dma_wait3A_87 = arith.constant 0 : i32
      %dma_wait3A_88 = arith.constant 0 : i32
      %dma_wait3A_89 = tpu.memref_slice %arg12[%dma_wait3A_87, %dma_wait3A_88] : memref<128x128xf32, #tpu.memory_space<vmem>> -> memref<128x128xf32, #tpu.memory_space<vmem>>
      %dma_wait3A_90 = arith.constant 0 : i32
      %dma_wait3A_91 = tpu.memref_slice %arg7[%add3A_53, %dma_wait3A_90] : memref<10112x128xf32, #tpu.memory_space<vmem_shared>> -> memref<128x128xf32, #tpu.memory_space<vmem_shared>>
      tpu.wait_dma2 semaphore(%run_scoped3A : memref<!tpu.dma_semaphore, #tpu.memory_space<semaphore_mem>>) src(%dma_wait3A_91 : memref<128x128xf32, #tpu.memory_space<vmem_shared>>) dst(%dma_wait3A_89 : memref<128x128xf32, #tpu.memory_space<vmem>>)
      tpu.yield
    }) : () -> ()
    %add3A_54 = arith.constant 0 : i32
    %add3A_55 = arith.addi %add3A_7, %add3A_54 : i32
    "tpu.region"() ({
      %run_scoped3A = tpu.sem_alloc : memref<!tpu.dma_semaphore, #tpu.memory_space<semaphore_mem>>
      %dma_start3A_72 = arith.constant 0 : i32
      %dma_start3A_73 = arith.constant 0 : i32
      %dma_start3A_74 = tpu.memref_slice %arg12[%dma_start3A_72, %dma_start3A_73] : memref<128x128xf32, #tpu.memory_space<vmem>> -> memref<128x128xf32, #tpu.memory_space<vmem>>
      %dma_start3A_75 = arith.constant 0 : i32
      %dma_start3A_76 = tpu.memref_slice %arg6[%add3A_55, %dma_start3A_75] : memref<20224x128xf32, #tpu.memory_space<hbm>> -> memref<128x128xf32, #tpu.memory_space<hbm>>
      %dma_start3A_77 = arith.constant 0 : i32
      %dma_start3A_78 = tpu.memref_slice %arg6[%add3A_55, %dma_start3A_77] : memref<20224x128xf32, #tpu.memory_space<hbm>> -> memref<128x128xf32, #tpu.memory_space<hbm>>
      %dma_start3A_79 = arith.constant 0 : i32
      %dma_start3A_80 = arith.constant 0 : i32
      %dma_start3A_81 = tpu.memref_slice %arg12[%dma_start3A_79, %dma_start3A_80] : memref<128x128xf32, #tpu.memory_space<vmem>> -> memref<128x128xf32, #tpu.memory_space<vmem>>
      tpu.enqueue_dma source(%dma_start3A_81 : memref<128x128xf32, #tpu.memory_space<vmem>>) target(%dma_start3A_78 : memref<128x128xf32, #tpu.memory_space<hbm>>) target_semaphore(%run_scoped3A : memref<!tpu.dma_semaphore, #tpu.memory_space<semaphore_mem>>)
      %dma_wait3A_82 = arith.constant 0 : i32
      %dma_wait3A_83 = arith.constant 0 : i32
      %dma_wait3A_84 = tpu.memref_slice %arg12[%dma_wait3A_82, %dma_wait3A_83] : memref<128x128xf32, #tpu.memory_space<vmem>> -> memref<128x128xf32, #tpu.memory_space<vmem>>
      %dma_wait3A_85 = arith.constant 0 : i32
      %dma_wait3A_86 = tpu.memref_slice %arg6[%add3A_55, %dma_wait3A_85] : memref<20224x128xf32, #tpu.memory_space<hbm>> -> memref<128x128xf32, #tpu.memory_space<hbm>>
      %dma_wait3A_87 = arith.constant 0 : i32
      %dma_wait3A_88 = tpu.memref_slice %arg6[%add3A_55, %dma_wait3A_87] : memref<20224x128xf32, #tpu.memory_space<hbm>> -> memref<128x128xf32, #tpu.memory_space<hbm>>
      %dma_wait3A_89 = arith.constant 0 : i32
      %dma_wait3A_90 = arith.constant 0 : i32
      %dma_wait3A_91 = tpu.memref_slice %arg12[%dma_wait3A_89, %dma_wait3A_90] : memref<128x128xf32, #tpu.memory_space<vmem>> -> memref<128x128xf32, #tpu.memory_space<vmem>>
      tpu.wait_dma2 semaphore(%run_scoped3A : memref<!tpu.dma_semaphore, #tpu.memory_space<semaphore_mem>>) src(%dma_wait3A_91 : memref<128x128xf32, #tpu.memory_space<vmem>>) dst(%dma_wait3A_88 : memref<128x128xf32, #tpu.memory_space<hbm>>)
      tpu.yield
    }) : () -> ()
    %add3A_56 = arith.constant 128 : i32
    %add3A_57 = arith.addi %mul3A_2, %add3A_56 : i32
    "tpu.region"() ({
      %run_scoped3A = tpu.sem_alloc : memref<!tpu.dma_semaphore, #tpu.memory_space<semaphore_mem>>
      %dma_start3A_72 = arith.constant 0 : i32
      %dma_start3A_73 = arith.constant 0 : i32
      %dma_start3A_74 = tpu.memref_slice %arg12[%dma_start3A_72, %dma_start3A_73] : memref<128x128xf32, #tpu.memory_space<vmem>> -> memref<128x128xf32, #tpu.memory_space<vmem>>
      %dma_start3A_75 = arith.constant 0 : i32
      %dma_start3A_76 = tpu.memref_slice %arg7[%add3A_57, %dma_start3A_75] : memref<10112x128xf32, #tpu.memory_space<vmem_shared>> -> memref<128x128xf32, #tpu.memory_space<vmem_shared>>
      %dma_start3A_77 = arith.constant 0 : i32
      %dma_start3A_78 = arith.constant 0 : i32
      %dma_start3A_79 = tpu.memref_slice %arg12[%dma_start3A_77, %dma_start3A_78] : memref<128x128xf32, #tpu.memory_space<vmem>> -> memref<128x128xf32, #tpu.memory_space<vmem>>
      %dma_start3A_80 = arith.constant 0 : i32
      %dma_start3A_81 = tpu.memref_slice %arg7[%add3A_57, %dma_start3A_80] : memref<10112x128xf32, #tpu.memory_space<vmem_shared>> -> memref<128x128xf32, #tpu.memory_space<vmem_shared>>
      tpu.enqueue_dma source(%dma_start3A_81 : memref<128x128xf32, #tpu.memory_space<vmem_shared>>) target(%dma_start3A_79 : memref<128x128xf32, #tpu.memory_space<vmem>>) target_semaphore(%run_scoped3A : memref<!tpu.dma_semaphore, #tpu.memory_space<semaphore_mem>>)
      %dma_wait3A_82 = arith.constant 0 : i32
      %dma_wait3A_83 = arith.constant 0 : i32
      %dma_wait3A_84 = tpu.memref_slice %arg12[%dma_wait3A_82, %dma_wait3A_83] : memref<128x128xf32, #tpu.memory_space<vmem>> -> memref<128x128xf32, #tpu.memory_space<vmem>>
      %dma_wait3A_85 = arith.constant 0 : i32
      %dma_wait3A_86 = tpu.memref_slice %arg7[%add3A_57, %dma_wait3A_85] : memref<10112x128xf32, #tpu.memory_space<vmem_shared>> -> memref<128x128xf32, #tpu.memory_space<vmem_shared>>
      %dma_wait3A_87 = arith.constant 0 : i32
      %dma_wait3A_88 = arith.constant 0 : i32
      %dma_wait3A_89 = tpu.memref_slice %arg12[%dma_wait3A_87, %dma_wait3A_88] : memref<128x128xf32, #tpu.memory_space<vmem>> -> memref<128x128xf32, #tpu.memory_space<vmem>>
      %dma_wait3A_90 = arith.constant 0 : i32
      %dma_wait3A_91 = tpu.memref_slice %arg7[%add3A_57, %dma_wait3A_90] : memref<10112x128xf32, #tpu.memory_space<vmem_shared>> -> memref<128x128xf32, #tpu.memory_space<vmem_shared>>
      tpu.wait_dma2 semaphore(%run_scoped3A : memref<!tpu.dma_semaphore, #tpu.memory_space<semaphore_mem>>) src(%dma_wait3A_91 : memref<128x128xf32, #tpu.memory_space<vmem_shared>>) dst(%dma_wait3A_89 : memref<128x128xf32, #tpu.memory_space<vmem>>)
      tpu.yield
    }) : () -> ()
    %add3A_58 = arith.constant 128 : i32
    %add3A_59 = arith.addi %add3A_7, %add3A_58 : i32
    "tpu.region"() ({
      %run_scoped3A = tpu.sem_alloc : memref<!tpu.dma_semaphore, #tpu.memory_space<semaphore_mem>>
      %dma_start3A_72 = arith.constant 0 : i32
      %dma_start3A_73 = arith.constant 0 : i32
      %dma_start3A_74 = tpu.memref_slice %arg12[%dma_start3A_72, %dma_start3A_73] : memref<128x128xf32, #tpu.memory_space<vmem>> -> memref<128x128xf32, #tpu.memory_space<vmem>>
      %dma_start3A_75 = arith.constant 0 : i32
      %dma_start3A_76 = tpu.memref_slice %arg6[%add3A_59, %dma_start3A_75] : memref<20224x128xf32, #tpu.memory_space<hbm>> -> memref<128x128xf32, #tpu.memory_space<hbm>>
      %dma_start3A_77 = arith.constant 0 : i32
      %dma_start3A_78 = tpu.memref_slice %arg6[%add3A_59, %dma_start3A_77] : memref<20224x128xf32, #tpu.memory_space<hbm>> -> memref<128x128xf32, #tpu.memory_space<hbm>>
      %dma_start3A_79 = arith.constant 0 : i32
      %dma_start3A_80 = arith.constant 0 : i32
      %dma_start3A_81 = tpu.memref_slice %arg12[%dma_start3A_79, %dma_start3A_80] : memref<128x128xf32, #tpu.memory_space<vmem>> -> memref<128x128xf32, #tpu.memory_space<vmem>>
      tpu.enqueue_dma source(%dma_start3A_81 : memref<128x128xf32, #tpu.memory_space<vmem>>) target(%dma_start3A_78 : memref<128x128xf32, #tpu.memory_space<hbm>>) target_semaphore(%run_scoped3A : memref<!tpu.dma_semaphore, #tpu.memory_space<semaphore_mem>>)
      %dma_wait3A_82 = arith.constant 0 : i32
      %dma_wait3A_83 = arith.constant 0 : i32
      %dma_wait3A_84 = tpu.memref_slice %arg12[%dma_wait3A_82, %dma_wait3A_83] : memref<128x128xf32, #tpu.memory_space<vmem>> -> memref<128x128xf32, #tpu.memory_space<vmem>>
      %dma_wait3A_85 = arith.constant 0 : i32
      %dma_wait3A_86 = tpu.memref_slice %arg6[%add3A_59, %dma_wait3A_85] : memref<20224x128xf32, #tpu.memory_space<hbm>> -> memref<128x128xf32, #tpu.memory_space<hbm>>
      %dma_wait3A_87 = arith.constant 0 : i32
      %dma_wait3A_88 = tpu.memref_slice %arg6[%add3A_59, %dma_wait3A_87] : memref<20224x128xf32, #tpu.memory_space<hbm>> -> memref<128x128xf32, #tpu.memory_space<hbm>>
      %dma_wait3A_89 = arith.constant 0 : i32
      %dma_wait3A_90 = arith.constant 0 : i32
      %dma_wait3A_91 = tpu.memref_slice %arg12[%dma_wait3A_89, %dma_wait3A_90] : memref<128x128xf32, #tpu.memory_space<vmem>> -> memref<128x128xf32, #tpu.memory_space<vmem>>
      tpu.wait_dma2 semaphore(%run_scoped3A : memref<!tpu.dma_semaphore, #tpu.memory_space<semaphore_mem>>) src(%dma_wait3A_91 : memref<128x128xf32, #tpu.memory_space<vmem>>) dst(%dma_wait3A_88 : memref<128x128xf32, #tpu.memory_space<hbm>>)
      tpu.yield
    }) : () -> ()
    %add3A_60 = arith.constant 256 : i32
    %add3A_61 = arith.addi %mul3A_2, %add3A_60 : i32
    "tpu.region"() ({
      %run_scoped3A = tpu.sem_alloc : memref<!tpu.dma_semaphore, #tpu.memory_space<semaphore_mem>>
      %dma_start3A_72 = arith.constant 0 : i32
      %dma_start3A_73 = arith.constant 0 : i32
      %dma_start3A_74 = tpu.memref_slice %arg12[%dma_start3A_72, %dma_start3A_73] : memref<128x128xf32, #tpu.memory_space<vmem>> -> memref<128x128xf32, #tpu.memory_space<vmem>>
      %dma_start3A_75 = arith.constant 0 : i32
      %dma_start3A_76 = tpu.memref_slice %arg7[%add3A_61, %dma_start3A_75] : memref<10112x128xf32, #tpu.memory_space<vmem_shared>> -> memref<128x128xf32, #tpu.memory_space<vmem_shared>>
      %dma_start3A_77 = arith.constant 0 : i32
      %dma_start3A_78 = arith.constant 0 : i32
      %dma_start3A_79 = tpu.memref_slice %arg12[%dma_start3A_77, %dma_start3A_78] : memref<128x128xf32, #tpu.memory_space<vmem>> -> memref<128x128xf32, #tpu.memory_space<vmem>>
      %dma_start3A_80 = arith.constant 0 : i32
      %dma_start3A_81 = tpu.memref_slice %arg7[%add3A_61, %dma_start3A_80] : memref<10112x128xf32, #tpu.memory_space<vmem_shared>> -> memref<128x128xf32, #tpu.memory_space<vmem_shared>>
      tpu.enqueue_dma source(%dma_start3A_81 : memref<128x128xf32, #tpu.memory_space<vmem_shared>>) target(%dma_start3A_79 : memref<128x128xf32, #tpu.memory_space<vmem>>) target_semaphore(%run_scoped3A : memref<!tpu.dma_semaphore, #tpu.memory_space<semaphore_mem>>)
      %dma_wait3A_82 = arith.constant 0 : i32
      %dma_wait3A_83 = arith.constant 0 : i32
      %dma_wait3A_84 = tpu.memref_slice %arg12[%dma_wait3A_82, %dma_wait3A_83] : memref<128x128xf32, #tpu.memory_space<vmem>> -> memref<128x128xf32, #tpu.memory_space<vmem>>
      %dma_wait3A_85 = arith.constant 0 : i32
      %dma_wait3A_86 = tpu.memref_slice %arg7[%add3A_61, %dma_wait3A_85] : memref<10112x128xf32, #tpu.memory_space<vmem_shared>> -> memref<128x128xf32, #tpu.memory_space<vmem_shared>>
      %dma_wait3A_87 = arith.constant 0 : i32
      %dma_wait3A_88 = arith.constant 0 : i32
      %dma_wait3A_89 = tpu.memref_slice %arg12[%dma_wait3A_87, %dma_wait3A_88] : memref<128x128xf32, #tpu.memory_space<vmem>> -> memref<128x128xf32, #tpu.memory_space<vmem>>
      %dma_wait3A_90 = arith.constant 0 : i32
      %dma_wait3A_91 = tpu.memref_slice %arg7[%add3A_61, %dma_wait3A_90] : memref<10112x128xf32, #tpu.memory_space<vmem_shared>> -> memref<128x128xf32, #tpu.memory_space<vmem_shared>>
      tpu.wait_dma2 semaphore(%run_scoped3A : memref<!tpu.dma_semaphore, #tpu.memory_space<semaphore_mem>>) src(%dma_wait3A_91 : memref<128x128xf32, #tpu.memory_space<vmem_shared>>) dst(%dma_wait3A_89 : memref<128x128xf32, #tpu.memory_space<vmem>>)
      tpu.yield
    }) : () -> ()
    %add3A_62 = arith.constant 256 : i32
    %add3A_63 = arith.addi %add3A_7, %add3A_62 : i32
    "tpu.region"() ({
      %run_scoped3A = tpu.sem_alloc : memref<!tpu.dma_semaphore, #tpu.memory_space<semaphore_mem>>
      %dma_start3A_72 = arith.constant 0 : i32
      %dma_start3A_73 = arith.constant 0 : i32
      %dma_start3A_74 = tpu.memref_slice %arg12[%dma_start3A_72, %dma_start3A_73] : memref<128x128xf32, #tpu.memory_space<vmem>> -> memref<128x128xf32, #tpu.memory_space<vmem>>
      %dma_start3A_75 = arith.constant 0 : i32
      %dma_start3A_76 = tpu.memref_slice %arg6[%add3A_63, %dma_start3A_75] : memref<20224x128xf32, #tpu.memory_space<hbm>> -> memref<128x128xf32, #tpu.memory_space<hbm>>
      %dma_start3A_77 = arith.constant 0 : i32
      %dma_start3A_78 = tpu.memref_slice %arg6[%add3A_63, %dma_start3A_77] : memref<20224x128xf32, #tpu.memory_space<hbm>> -> memref<128x128xf32, #tpu.memory_space<hbm>>
      %dma_start3A_79 = arith.constant 0 : i32
      %dma_start3A_80 = arith.constant 0 : i32
      %dma_start3A_81 = tpu.memref_slice %arg12[%dma_start3A_79, %dma_start3A_80] : memref<128x128xf32, #tpu.memory_space<vmem>> -> memref<128x128xf32, #tpu.memory_space<vmem>>
      tpu.enqueue_dma source(%dma_start3A_81 : memref<128x128xf32, #tpu.memory_space<vmem>>) target(%dma_start3A_78 : memref<128x128xf32, #tpu.memory_space<hbm>>) target_semaphore(%run_scoped3A : memref<!tpu.dma_semaphore, #tpu.memory_space<semaphore_mem>>)
      %dma_wait3A_82 = arith.constant 0 : i32
      %dma_wait3A_83 = arith.constant 0 : i32
      %dma_wait3A_84 = tpu.memref_slice %arg12[%dma_wait3A_82, %dma_wait3A_83] : memref<128x128xf32, #tpu.memory_space<vmem>> -> memref<128x128xf32, #tpu.memory_space<vmem>>
      %dma_wait3A_85 = arith.constant 0 : i32
      %dma_wait3A_86 = tpu.memref_slice %arg6[%add3A_63, %dma_wait3A_85] : memref<20224x128xf32, #tpu.memory_space<hbm>> -> memref<128x128xf32, #tpu.memory_space<hbm>>
      %dma_wait3A_87 = arith.constant 0 : i32
      %dma_wait3A_88 = tpu.memref_slice %arg6[%add3A_63, %dma_wait3A_87] : memref<20224x128xf32, #tpu.memory_space<hbm>> -> memref<128x128xf32, #tpu.memory_space<hbm>>
      %dma_wait3A_89 = arith.constant 0 : i32
      %dma_wait3A_90 = arith.constant 0 : i32
      %dma_wait3A_91 = tpu.memref_slice %arg12[%dma_wait3A_89, %dma_wait3A_90] : memref<128x128xf32, #tpu.memory_space<vmem>> -> memref<128x128xf32, #tpu.memory_space<vmem>>
      tpu.wait_dma2 semaphore(%run_scoped3A : memref<!tpu.dma_semaphore, #tpu.memory_space<semaphore_mem>>) src(%dma_wait3A_91 : memref<128x128xf32, #tpu.memory_space<vmem>>) dst(%dma_wait3A_88 : memref<128x128xf32, #tpu.memory_space<hbm>>)
      tpu.yield
    }) : () -> ()
    %add3A_64 = arith.constant 384 : i32
    %add3A_65 = arith.addi %mul3A_2, %add3A_64 : i32
    "tpu.region"() ({
      %run_scoped3A = tpu.sem_alloc : memref<!tpu.dma_semaphore, #tpu.memory_space<semaphore_mem>>
      %dma_start3A_72 = arith.constant 0 : i32
      %dma_start3A_73 = arith.constant 0 : i32
      %dma_start3A_74 = tpu.memref_slice %arg12[%dma_start3A_72, %dma_start3A_73] : memref<128x128xf32, #tpu.memory_space<vmem>> -> memref<128x128xf32, #tpu.memory_space<vmem>>
      %dma_start3A_75 = arith.constant 0 : i32
      %dma_start3A_76 = tpu.memref_slice %arg7[%add3A_65, %dma_start3A_75] : memref<10112x128xf32, #tpu.memory_space<vmem_shared>> -> memref<128x128xf32, #tpu.memory_space<vmem_shared>>
      %dma_start3A_77 = arith.constant 0 : i32
      %dma_start3A_78 = arith.constant 0 : i32
      %dma_start3A_79 = tpu.memref_slice %arg12[%dma_start3A_77, %dma_start3A_78] : memref<128x128xf32, #tpu.memory_space<vmem>> -> memref<128x128xf32, #tpu.memory_space<vmem>>
      %dma_start3A_80 = arith.constant 0 : i32
      %dma_start3A_81 = tpu.memref_slice %arg7[%add3A_65, %dma_start3A_80] : memref<10112x128xf32, #tpu.memory_space<vmem_shared>> -> memref<128x128xf32, #tpu.memory_space<vmem_shared>>
      tpu.enqueue_dma source(%dma_start3A_81 : memref<128x128xf32, #tpu.memory_space<vmem_shared>>) target(%dma_start3A_79 : memref<128x128xf32, #tpu.memory_space<vmem>>) target_semaphore(%run_scoped3A : memref<!tpu.dma_semaphore, #tpu.memory_space<semaphore_mem>>)
      %dma_wait3A_82 = arith.constant 0 : i32
      %dma_wait3A_83 = arith.constant 0 : i32
      %dma_wait3A_84 = tpu.memref_slice %arg12[%dma_wait3A_82, %dma_wait3A_83] : memref<128x128xf32, #tpu.memory_space<vmem>> -> memref<128x128xf32, #tpu.memory_space<vmem>>
      %dma_wait3A_85 = arith.constant 0 : i32
      %dma_wait3A_86 = tpu.memref_slice %arg7[%add3A_65, %dma_wait3A_85] : memref<10112x128xf32, #tpu.memory_space<vmem_shared>> -> memref<128x128xf32, #tpu.memory_space<vmem_shared>>
      %dma_wait3A_87 = arith.constant 0 : i32
      %dma_wait3A_88 = arith.constant 0 : i32
      %dma_wait3A_89 = tpu.memref_slice %arg12[%dma_wait3A_87, %dma_wait3A_88] : memref<128x128xf32, #tpu.memory_space<vmem>> -> memref<128x128xf32, #tpu.memory_space<vmem>>
      %dma_wait3A_90 = arith.constant 0 : i32
      %dma_wait3A_91 = tpu.memref_slice %arg7[%add3A_65, %dma_wait3A_90] : memref<10112x128xf32, #tpu.memory_space<vmem_shared>> -> memref<128x128xf32, #tpu.memory_space<vmem_shared>>
      tpu.wait_dma2 semaphore(%run_scoped3A : memref<!tpu.dma_semaphore, #tpu.memory_space<semaphore_mem>>) src(%dma_wait3A_91 : memref<128x128xf32, #tpu.memory_space<vmem_shared>>) dst(%dma_wait3A_89 : memref<128x128xf32, #tpu.memory_space<vmem>>)
      tpu.yield
    }) : () -> ()
    %add3A_66 = arith.constant 384 : i32
    %add3A_67 = arith.addi %add3A_7, %add3A_66 : i32
    "tpu.region"() ({
      %run_scoped3A = tpu.sem_alloc : memref<!tpu.dma_semaphore, #tpu.memory_space<semaphore_mem>>
      %dma_start3A_72 = arith.constant 0 : i32
      %dma_start3A_73 = arith.constant 0 : i32
      %dma_start3A_74 = tpu.memref_slice %arg12[%dma_start3A_72, %dma_start3A_73] : memref<128x128xf32, #tpu.memory_space<vmem>> -> memref<128x128xf32, #tpu.memory_space<vmem>>
      %dma_start3A_75 = arith.constant 0 : i32
      %dma_start3A_76 = tpu.memref_slice %arg6[%add3A_67, %dma_start3A_75] : memref<20224x128xf32, #tpu.memory_space<hbm>> -> memref<128x128xf32, #tpu.memory_space<hbm>>
      %dma_start3A_77 = arith.constant 0 : i32
      %dma_start3A_78 = tpu.memref_slice %arg6[%add3A_67, %dma_start3A_77] : memref<20224x128xf32, #tpu.memory_space<hbm>> -> memref<128x128xf32, #tpu.memory_space<hbm>>
      %dma_start3A_79 = arith.constant 0 : i32
      %dma_start3A_80 = arith.constant 0 : i32
      %dma_start3A_81 = tpu.memref_slice %arg12[%dma_start3A_79, %dma_start3A_80] : memref<128x128xf32, #tpu.memory_space<vmem>> -> memref<128x128xf32, #tpu.memory_space<vmem>>
      tpu.enqueue_dma source(%dma_start3A_81 : memref<128x128xf32, #tpu.memory_space<vmem>>) target(%dma_start3A_78 : memref<128x128xf32, #tpu.memory_space<hbm>>) target_semaphore(%run_scoped3A : memref<!tpu.dma_semaphore, #tpu.memory_space<semaphore_mem>>)
      %dma_wait3A_82 = arith.constant 0 : i32
      %dma_wait3A_83 = arith.constant 0 : i32
      %dma_wait3A_84 = tpu.memref_slice %arg12[%dma_wait3A_82, %dma_wait3A_83] : memref<128x128xf32, #tpu.memory_space<vmem>> -> memref<128x128xf32, #tpu.memory_space<vmem>>
      %dma_wait3A_85 = arith.constant 0 : i32
      %dma_wait3A_86 = tpu.memref_slice %arg6[%add3A_67, %dma_wait3A_85] : memref<20224x128xf32, #tpu.memory_space<hbm>> -> memref<128x128xf32, #tpu.memory_space<hbm>>
      %dma_wait3A_87 = arith.constant 0 : i32
      %dma_wait3A_88 = tpu.memref_slice %arg6[%add3A_67, %dma_wait3A_87] : memref<20224x128xf32, #tpu.memory_space<hbm>> -> memref<128x128xf32, #tpu.memory_space<hbm>>
      %dma_wait3A_89 = arith.constant 0 : i32
      %dma_wait3A_90 = arith.constant 0 : i32
      %dma_wait3A_91 = tpu.memref_slice %arg12[%dma_wait3A_89, %dma_wait3A_90] : memref<128x128xf32, #tpu.memory_space<vmem>> -> memref<128x128xf32, #tpu.memory_space<vmem>>
      tpu.wait_dma2 semaphore(%run_scoped3A : memref<!tpu.dma_semaphore, #tpu.memory_space<semaphore_mem>>) src(%dma_wait3A_91 : memref<128x128xf32, #tpu.memory_space<vmem>>) dst(%dma_wait3A_88 : memref<128x128xf32, #tpu.memory_space<hbm>>)
      tpu.yield
    }) : () -> ()
    %add3A_68 = arith.constant 512 : i32
    %add3A_69 = arith.addi %mul3A_2, %add3A_68 : i32
    "tpu.region"() ({
      %run_scoped3A = tpu.sem_alloc : memref<!tpu.dma_semaphore, #tpu.memory_space<semaphore_mem>>
      %dma_start3A_72 = arith.constant 0 : i32
      %dma_start3A_73 = arith.constant 0 : i32
      %dma_start3A_74 = tpu.memref_slice %arg12[%dma_start3A_72, %dma_start3A_73] : memref<128x128xf32, #tpu.memory_space<vmem>> -> memref<120x128xf32, #tpu.memory_space<vmem>>
      %dma_start3A_75 = arith.constant 0 : i32
      %dma_start3A_76 = tpu.memref_slice %arg7[%add3A_69, %dma_start3A_75] : memref<10112x128xf32, #tpu.memory_space<vmem_shared>> -> memref<120x128xf32, #tpu.memory_space<vmem_shared>>
      %dma_start3A_77 = arith.constant 0 : i32
      %dma_start3A_78 = arith.constant 0 : i32
      %dma_start3A_79 = tpu.memref_slice %arg12[%dma_start3A_77, %dma_start3A_78] : memref<128x128xf32, #tpu.memory_space<vmem>> -> memref<120x128xf32, #tpu.memory_space<vmem>>
      %dma_start3A_80 = arith.constant 0 : i32
      %dma_start3A_81 = tpu.memref_slice %arg7[%add3A_69, %dma_start3A_80] : memref<10112x128xf32, #tpu.memory_space<vmem_shared>> -> memref<120x128xf32, #tpu.memory_space<vmem_shared>>
      tpu.enqueue_dma source(%dma_start3A_81 : memref<120x128xf32, #tpu.memory_space<vmem_shared>>) target(%dma_start3A_79 : memref<120x128xf32, #tpu.memory_space<vmem>>) target_semaphore(%run_scoped3A : memref<!tpu.dma_semaphore, #tpu.memory_space<semaphore_mem>>)
      %dma_wait3A_82 = arith.constant 0 : i32
      %dma_wait3A_83 = arith.constant 0 : i32
      %dma_wait3A_84 = tpu.memref_slice %arg12[%dma_wait3A_82, %dma_wait3A_83] : memref<128x128xf32, #tpu.memory_space<vmem>> -> memref<120x128xf32, #tpu.memory_space<vmem>>
      %dma_wait3A_85 = arith.constant 0 : i32
      %dma_wait3A_86 = tpu.memref_slice %arg7[%add3A_69, %dma_wait3A_85] : memref<10112x128xf32, #tpu.memory_space<vmem_shared>> -> memref<120x128xf32, #tpu.memory_space<vmem_shared>>
      %dma_wait3A_87 = arith.constant 0 : i32
      %dma_wait3A_88 = arith.constant 0 : i32
      %dma_wait3A_89 = tpu.memref_slice %arg12[%dma_wait3A_87, %dma_wait3A_88] : memref<128x128xf32, #tpu.memory_space<vmem>> -> memref<120x128xf32, #tpu.memory_space<vmem>>
      %dma_wait3A_90 = arith.constant 0 : i32
      %dma_wait3A_91 = tpu.memref_slice %arg7[%add3A_69, %dma_wait3A_90] : memref<10112x128xf32, #tpu.memory_space<vmem_shared>> -> memref<120x128xf32, #tpu.memory_space<vmem_shared>>
      tpu.wait_dma2 semaphore(%run_scoped3A : memref<!tpu.dma_semaphore, #tpu.memory_space<semaphore_mem>>) src(%dma_wait3A_91 : memref<120x128xf32, #tpu.memory_space<vmem_shared>>) dst(%dma_wait3A_89 : memref<120x128xf32, #tpu.memory_space<vmem>>)
      tpu.yield
    }) : () -> ()
    %add3A_70 = arith.constant 512 : i32
    %add3A_71 = arith.addi %add3A_7, %add3A_70 : i32
    "tpu.region"() ({
      %run_scoped3A = tpu.sem_alloc : memref<!tpu.dma_semaphore, #tpu.memory_space<semaphore_mem>>
      %dma_start3A_72 = arith.constant 0 : i32
      %dma_start3A_73 = arith.constant 0 : i32
      %dma_start3A_74 = tpu.memref_slice %arg12[%dma_start3A_72, %dma_start3A_73] : memref<128x128xf32, #tpu.memory_space<vmem>> -> memref<120x128xf32, #tpu.memory_space<vmem>>
      %dma_start3A_75 = arith.constant 0 : i32
      %dma_start3A_76 = tpu.memref_slice %arg6[%add3A_71, %dma_start3A_75] : memref<20224x128xf32, #tpu.memory_space<hbm>> -> memref<120x128xf32, #tpu.memory_space<hbm>>
      %dma_start3A_77 = arith.constant 0 : i32
      %dma_start3A_78 = tpu.memref_slice %arg6[%add3A_71, %dma_start3A_77] : memref<20224x128xf32, #tpu.memory_space<hbm>> -> memref<120x128xf32, #tpu.memory_space<hbm>>
      %dma_start3A_79 = arith.constant 0 : i32
      %dma_start3A_80 = arith.constant 0 : i32
      %dma_start3A_81 = tpu.memref_slice %arg12[%dma_start3A_79, %dma_start3A_80] : memref<128x128xf32, #tpu.memory_space<vmem>> -> memref<120x128xf32, #tpu.memory_space<vmem>>
      tpu.enqueue_dma source(%dma_start3A_81 : memref<120x128xf32, #tpu.memory_space<vmem>>) target(%dma_start3A_78 : memref<120x128xf32, #tpu.memory_space<hbm>>) target_semaphore(%run_scoped3A : memref<!tpu.dma_semaphore, #tpu.memory_space<semaphore_mem>>)
      %dma_wait3A_82 = arith.constant 0 : i32
      %dma_wait3A_83 = arith.constant 0 : i32
      %dma_wait3A_84 = tpu.memref_slice %arg12[%dma_wait3A_82, %dma_wait3A_83] : memref<128x128xf32, #tpu.memory_space<vmem>> -> memref<120x128xf32, #tpu.memory_space<vmem>>
      %dma_wait3A_85 = arith.constant 0 : i32
      %dma_wait3A_86 = tpu.memref_slice %arg6[%add3A_71, %dma_wait3A_85] : memref<20224x128xf32, #tpu.memory_space<hbm>> -> memref<120x128xf32, #tpu.memory_space<hbm>>
      %dma_wait3A_87 = arith.constant 0 : i32
      %dma_wait3A_88 = tpu.memref_slice %arg6[%add3A_71, %dma_wait3A_87] : memref<20224x128xf32, #tpu.memory_space<hbm>> -> memref<120x128xf32, #tpu.memory_space<hbm>>
      %dma_wait3A_89 = arith.constant 0 : i32
      %dma_wait3A_90 = arith.constant 0 : i32
      %dma_wait3A_91 = tpu.memref_slice %arg12[%dma_wait3A_89, %dma_wait3A_90] : memref<128x128xf32, #tpu.memory_space<vmem>> -> memref<120x128xf32, #tpu.memory_space<vmem>>
      tpu.wait_dma2 semaphore(%run_scoped3A : memref<!tpu.dma_semaphore, #tpu.memory_space<semaphore_mem>>) src(%dma_wait3A_91 : memref<120x128xf32, #tpu.memory_space<vmem>>) dst(%dma_wait3A_88 : memref<120x128xf32, #tpu.memory_space<hbm>>)
      tpu.yield
    }) : () -> ()
    return
  }
}

#map = affine_map<(d0, d1) -> (0)>
#map1 = affine_map<(d0, d1) -> (0, 0)>
module attributes {stable_mosaic.version = 14 : i64} {
  func.func @deg_kernel(%arg0: i32, %arg1: i32, %arg2: memref<327808xi32, #tpu.memory_space<hbm>>, %arg3: memref<128x128xf32, #tpu.memory_space<hbm>>, %arg4: memref<128x128xf32, #tpu.memory_space<hbm>>, %arg5: memref<20224x128xf32, #tpu.memory_space<hbm>>, %arg6: memref<10112x128xf32, #tpu.memory_space<vmem_shared>>, %arg7: memref<128xi32, #tpu.memory_space<vmem>>, %arg8: memref<128x128xf32, #tpu.memory_space<vmem>>) attributes {dimension_semantics = [#tpu.dimension_semantics<core_parallel>, #tpu.dimension_semantics<subcore_parallel>], iteration_bounds = array<i64: 2, 16>, scalar_prefetch = 0 : i64, scratch_operands = 3 : i64, tpu.core_type = #tpu.core_type<sc_vector_subcore>, window_params = [{transform_indices = #map}, {transform_indices = #map1}, {transform_indices = #map1}, {transform_indices = #map1}]} {
    %mul3A = arith.constant 16 : i32
    %mul3A_0 = arith.muli %arg0, %mul3A : i32
    %add3A = arith.addi %mul3A_0, %arg1 : i32
    %mul3A_1 = arith.constant 632 : i32
    %mul3A_2 = arith.muli %arg1, %mul3A_1 : i32
    %mul3A_3 = arith.constant 10112 : i32
    %mul3A_4 = arith.muli %arg0, %mul3A_3 : i32
    %mul3A_5 = arith.constant 632 : i32
    %mul3A_6 = arith.muli %arg1, %mul3A_5 : i32
    %add3A_7 = arith.addi %mul3A_4, %mul3A_6 : i32
    "tpu.region"() ({
      %run_scoped3A = tpu.sem_alloc : memref<!tpu.dma_semaphore, #tpu.memory_space<semaphore_mem>>
      tpu.enqueue_dma source(%arg3 : memref<128x128xf32, #tpu.memory_space<hbm>>) target(%arg8 : memref<128x128xf32, #tpu.memory_space<vmem>>) target_semaphore(%run_scoped3A : memref<!tpu.dma_semaphore, #tpu.memory_space<semaphore_mem>>)
      tpu.wait_dma2 semaphore(%run_scoped3A : memref<!tpu.dma_semaphore, #tpu.memory_space<semaphore_mem>>) src(%arg3 : memref<128x128xf32, #tpu.memory_space<hbm>>) dst(%arg8 : memref<128x128xf32, #tpu.memory_space<vmem>>)
      tpu.yield
    }) : () -> ()
    %add3A_8 = arith.constant 0 : i32
    %add3A_9 = arith.addi %mul3A_2, %add3A_8 : i32
    "tpu.region"() ({
      %run_scoped3A = tpu.sem_alloc : memref<!tpu.dma_semaphore, #tpu.memory_space<semaphore_mem>>
      %dma_start3A = arith.constant 0 : i32
      %dma_start3A_43 = arith.constant 0 : i32
      %dma_start3A_44 = tpu.memref_slice %arg8[%dma_start3A, %dma_start3A_43] : memref<128x128xf32, #tpu.memory_space<vmem>> -> memref<128x128xf32, #tpu.memory_space<vmem>>
      %dma_start3A_45 = arith.constant 0 : i32
      %dma_start3A_46 = tpu.memref_slice %arg6[%add3A_9, %dma_start3A_45] : memref<10112x128xf32, #tpu.memory_space<vmem_shared>> -> memref<128x128xf32, #tpu.memory_space<vmem_shared>>
      %dma_start3A_47 = arith.constant 0 : i32
      %dma_start3A_48 = tpu.memref_slice %arg6[%add3A_9, %dma_start3A_47] : memref<10112x128xf32, #tpu.memory_space<vmem_shared>> -> memref<128x128xf32, #tpu.memory_space<vmem_shared>>
      %dma_start3A_49 = arith.constant 0 : i32
      %dma_start3A_50 = arith.constant 0 : i32
      %dma_start3A_51 = tpu.memref_slice %arg8[%dma_start3A_49, %dma_start3A_50] : memref<128x128xf32, #tpu.memory_space<vmem>> -> memref<128x128xf32, #tpu.memory_space<vmem>>
      tpu.enqueue_dma source(%dma_start3A_51 : memref<128x128xf32, #tpu.memory_space<vmem>>) target(%dma_start3A_48 : memref<128x128xf32, #tpu.memory_space<vmem_shared>>) target_semaphore(%run_scoped3A : memref<!tpu.dma_semaphore, #tpu.memory_space<semaphore_mem>>)
      %dma_wait3A = arith.constant 0 : i32
      %dma_wait3A_52 = arith.constant 0 : i32
      %dma_wait3A_53 = tpu.memref_slice %arg8[%dma_wait3A, %dma_wait3A_52] : memref<128x128xf32, #tpu.memory_space<vmem>> -> memref<128x128xf32, #tpu.memory_space<vmem>>
      %dma_wait3A_54 = arith.constant 0 : i32
      %dma_wait3A_55 = tpu.memref_slice %arg6[%add3A_9, %dma_wait3A_54] : memref<10112x128xf32, #tpu.memory_space<vmem_shared>> -> memref<128x128xf32, #tpu.memory_space<vmem_shared>>
      %dma_wait3A_56 = arith.constant 0 : i32
      %dma_wait3A_57 = tpu.memref_slice %arg6[%add3A_9, %dma_wait3A_56] : memref<10112x128xf32, #tpu.memory_space<vmem_shared>> -> memref<128x128xf32, #tpu.memory_space<vmem_shared>>
      %dma_wait3A_58 = arith.constant 0 : i32
      %dma_wait3A_59 = arith.constant 0 : i32
      %dma_wait3A_60 = tpu.memref_slice %arg8[%dma_wait3A_58, %dma_wait3A_59] : memref<128x128xf32, #tpu.memory_space<vmem>> -> memref<128x128xf32, #tpu.memory_space<vmem>>
      tpu.wait_dma2 semaphore(%run_scoped3A : memref<!tpu.dma_semaphore, #tpu.memory_space<semaphore_mem>>) src(%dma_wait3A_60 : memref<128x128xf32, #tpu.memory_space<vmem>>) dst(%dma_wait3A_57 : memref<128x128xf32, #tpu.memory_space<vmem_shared>>)
      tpu.yield
    }) : () -> ()
    %add3A_10 = arith.constant 128 : i32
    %add3A_11 = arith.addi %mul3A_2, %add3A_10 : i32
    "tpu.region"() ({
      %run_scoped3A = tpu.sem_alloc : memref<!tpu.dma_semaphore, #tpu.memory_space<semaphore_mem>>
      %dma_start3A = arith.constant 0 : i32
      %dma_start3A_43 = arith.constant 0 : i32
      %dma_start3A_44 = tpu.memref_slice %arg8[%dma_start3A, %dma_start3A_43] : memref<128x128xf32, #tpu.memory_space<vmem>> -> memref<128x128xf32, #tpu.memory_space<vmem>>
      %dma_start3A_45 = arith.constant 0 : i32
      %dma_start3A_46 = tpu.memref_slice %arg6[%add3A_11, %dma_start3A_45] : memref<10112x128xf32, #tpu.memory_space<vmem_shared>> -> memref<128x128xf32, #tpu.memory_space<vmem_shared>>
      %dma_start3A_47 = arith.constant 0 : i32
      %dma_start3A_48 = tpu.memref_slice %arg6[%add3A_11, %dma_start3A_47] : memref<10112x128xf32, #tpu.memory_space<vmem_shared>> -> memref<128x128xf32, #tpu.memory_space<vmem_shared>>
      %dma_start3A_49 = arith.constant 0 : i32
      %dma_start3A_50 = arith.constant 0 : i32
      %dma_start3A_51 = tpu.memref_slice %arg8[%dma_start3A_49, %dma_start3A_50] : memref<128x128xf32, #tpu.memory_space<vmem>> -> memref<128x128xf32, #tpu.memory_space<vmem>>
      tpu.enqueue_dma source(%dma_start3A_51 : memref<128x128xf32, #tpu.memory_space<vmem>>) target(%dma_start3A_48 : memref<128x128xf32, #tpu.memory_space<vmem_shared>>) target_semaphore(%run_scoped3A : memref<!tpu.dma_semaphore, #tpu.memory_space<semaphore_mem>>)
      %dma_wait3A = arith.constant 0 : i32
      %dma_wait3A_52 = arith.constant 0 : i32
      %dma_wait3A_53 = tpu.memref_slice %arg8[%dma_wait3A, %dma_wait3A_52] : memref<128x128xf32, #tpu.memory_space<vmem>> -> memref<128x128xf32, #tpu.memory_space<vmem>>
      %dma_wait3A_54 = arith.constant 0 : i32
      %dma_wait3A_55 = tpu.memref_slice %arg6[%add3A_11, %dma_wait3A_54] : memref<10112x128xf32, #tpu.memory_space<vmem_shared>> -> memref<128x128xf32, #tpu.memory_space<vmem_shared>>
      %dma_wait3A_56 = arith.constant 0 : i32
      %dma_wait3A_57 = tpu.memref_slice %arg6[%add3A_11, %dma_wait3A_56] : memref<10112x128xf32, #tpu.memory_space<vmem_shared>> -> memref<128x128xf32, #tpu.memory_space<vmem_shared>>
      %dma_wait3A_58 = arith.constant 0 : i32
      %dma_wait3A_59 = arith.constant 0 : i32
      %dma_wait3A_60 = tpu.memref_slice %arg8[%dma_wait3A_58, %dma_wait3A_59] : memref<128x128xf32, #tpu.memory_space<vmem>> -> memref<128x128xf32, #tpu.memory_space<vmem>>
      tpu.wait_dma2 semaphore(%run_scoped3A : memref<!tpu.dma_semaphore, #tpu.memory_space<semaphore_mem>>) src(%dma_wait3A_60 : memref<128x128xf32, #tpu.memory_space<vmem>>) dst(%dma_wait3A_57 : memref<128x128xf32, #tpu.memory_space<vmem_shared>>)
      tpu.yield
    }) : () -> ()
    %add3A_12 = arith.constant 256 : i32
    %add3A_13 = arith.addi %mul3A_2, %add3A_12 : i32
    "tpu.region"() ({
      %run_scoped3A = tpu.sem_alloc : memref<!tpu.dma_semaphore, #tpu.memory_space<semaphore_mem>>
      %dma_start3A = arith.constant 0 : i32
      %dma_start3A_43 = arith.constant 0 : i32
      %dma_start3A_44 = tpu.memref_slice %arg8[%dma_start3A, %dma_start3A_43] : memref<128x128xf32, #tpu.memory_space<vmem>> -> memref<128x128xf32, #tpu.memory_space<vmem>>
      %dma_start3A_45 = arith.constant 0 : i32
      %dma_start3A_46 = tpu.memref_slice %arg6[%add3A_13, %dma_start3A_45] : memref<10112x128xf32, #tpu.memory_space<vmem_shared>> -> memref<128x128xf32, #tpu.memory_space<vmem_shared>>
      %dma_start3A_47 = arith.constant 0 : i32
      %dma_start3A_48 = tpu.memref_slice %arg6[%add3A_13, %dma_start3A_47] : memref<10112x128xf32, #tpu.memory_space<vmem_shared>> -> memref<128x128xf32, #tpu.memory_space<vmem_shared>>
      %dma_start3A_49 = arith.constant 0 : i32
      %dma_start3A_50 = arith.constant 0 : i32
      %dma_start3A_51 = tpu.memref_slice %arg8[%dma_start3A_49, %dma_start3A_50] : memref<128x128xf32, #tpu.memory_space<vmem>> -> memref<128x128xf32, #tpu.memory_space<vmem>>
      tpu.enqueue_dma source(%dma_start3A_51 : memref<128x128xf32, #tpu.memory_space<vmem>>) target(%dma_start3A_48 : memref<128x128xf32, #tpu.memory_space<vmem_shared>>) target_semaphore(%run_scoped3A : memref<!tpu.dma_semaphore, #tpu.memory_space<semaphore_mem>>)
      %dma_wait3A = arith.constant 0 : i32
      %dma_wait3A_52 = arith.constant 0 : i32
      %dma_wait3A_53 = tpu.memref_slice %arg8[%dma_wait3A, %dma_wait3A_52] : memref<128x128xf32, #tpu.memory_space<vmem>> -> memref<128x128xf32, #tpu.memory_space<vmem>>
      %dma_wait3A_54 = arith.constant 0 : i32
      %dma_wait3A_55 = tpu.memref_slice %arg6[%add3A_13, %dma_wait3A_54] : memref<10112x128xf32, #tpu.memory_space<vmem_shared>> -> memref<128x128xf32, #tpu.memory_space<vmem_shared>>
      %dma_wait3A_56 = arith.constant 0 : i32
      %dma_wait3A_57 = tpu.memref_slice %arg6[%add3A_13, %dma_wait3A_56] : memref<10112x128xf32, #tpu.memory_space<vmem_shared>> -> memref<128x128xf32, #tpu.memory_space<vmem_shared>>
      %dma_wait3A_58 = arith.constant 0 : i32
      %dma_wait3A_59 = arith.constant 0 : i32
      %dma_wait3A_60 = tpu.memref_slice %arg8[%dma_wait3A_58, %dma_wait3A_59] : memref<128x128xf32, #tpu.memory_space<vmem>> -> memref<128x128xf32, #tpu.memory_space<vmem>>
      tpu.wait_dma2 semaphore(%run_scoped3A : memref<!tpu.dma_semaphore, #tpu.memory_space<semaphore_mem>>) src(%dma_wait3A_60 : memref<128x128xf32, #tpu.memory_space<vmem>>) dst(%dma_wait3A_57 : memref<128x128xf32, #tpu.memory_space<vmem_shared>>)
      tpu.yield
    }) : () -> ()
    %add3A_14 = arith.constant 384 : i32
    %add3A_15 = arith.addi %mul3A_2, %add3A_14 : i32
    "tpu.region"() ({
      %run_scoped3A = tpu.sem_alloc : memref<!tpu.dma_semaphore, #tpu.memory_space<semaphore_mem>>
      %dma_start3A = arith.constant 0 : i32
      %dma_start3A_43 = arith.constant 0 : i32
      %dma_start3A_44 = tpu.memref_slice %arg8[%dma_start3A, %dma_start3A_43] : memref<128x128xf32, #tpu.memory_space<vmem>> -> memref<128x128xf32, #tpu.memory_space<vmem>>
      %dma_start3A_45 = arith.constant 0 : i32
      %dma_start3A_46 = tpu.memref_slice %arg6[%add3A_15, %dma_start3A_45] : memref<10112x128xf32, #tpu.memory_space<vmem_shared>> -> memref<128x128xf32, #tpu.memory_space<vmem_shared>>
      %dma_start3A_47 = arith.constant 0 : i32
      %dma_start3A_48 = tpu.memref_slice %arg6[%add3A_15, %dma_start3A_47] : memref<10112x128xf32, #tpu.memory_space<vmem_shared>> -> memref<128x128xf32, #tpu.memory_space<vmem_shared>>
      %dma_start3A_49 = arith.constant 0 : i32
      %dma_start3A_50 = arith.constant 0 : i32
      %dma_start3A_51 = tpu.memref_slice %arg8[%dma_start3A_49, %dma_start3A_50] : memref<128x128xf32, #tpu.memory_space<vmem>> -> memref<128x128xf32, #tpu.memory_space<vmem>>
      tpu.enqueue_dma source(%dma_start3A_51 : memref<128x128xf32, #tpu.memory_space<vmem>>) target(%dma_start3A_48 : memref<128x128xf32, #tpu.memory_space<vmem_shared>>) target_semaphore(%run_scoped3A : memref<!tpu.dma_semaphore, #tpu.memory_space<semaphore_mem>>)
      %dma_wait3A = arith.constant 0 : i32
      %dma_wait3A_52 = arith.constant 0 : i32
      %dma_wait3A_53 = tpu.memref_slice %arg8[%dma_wait3A, %dma_wait3A_52] : memref<128x128xf32, #tpu.memory_space<vmem>> -> memref<128x128xf32, #tpu.memory_space<vmem>>
      %dma_wait3A_54 = arith.constant 0 : i32
      %dma_wait3A_55 = tpu.memref_slice %arg6[%add3A_15, %dma_wait3A_54] : memref<10112x128xf32, #tpu.memory_space<vmem_shared>> -> memref<128x128xf32, #tpu.memory_space<vmem_shared>>
      %dma_wait3A_56 = arith.constant 0 : i32
      %dma_wait3A_57 = tpu.memref_slice %arg6[%add3A_15, %dma_wait3A_56] : memref<10112x128xf32, #tpu.memory_space<vmem_shared>> -> memref<128x128xf32, #tpu.memory_space<vmem_shared>>
      %dma_wait3A_58 = arith.constant 0 : i32
      %dma_wait3A_59 = arith.constant 0 : i32
      %dma_wait3A_60 = tpu.memref_slice %arg8[%dma_wait3A_58, %dma_wait3A_59] : memref<128x128xf32, #tpu.memory_space<vmem>> -> memref<128x128xf32, #tpu.memory_space<vmem>>
      tpu.wait_dma2 semaphore(%run_scoped3A : memref<!tpu.dma_semaphore, #tpu.memory_space<semaphore_mem>>) src(%dma_wait3A_60 : memref<128x128xf32, #tpu.memory_space<vmem>>) dst(%dma_wait3A_57 : memref<128x128xf32, #tpu.memory_space<vmem_shared>>)
      tpu.yield
    }) : () -> ()
    %add3A_16 = arith.constant 512 : i32
    %add3A_17 = arith.addi %mul3A_2, %add3A_16 : i32
    "tpu.region"() ({
      %run_scoped3A = tpu.sem_alloc : memref<!tpu.dma_semaphore, #tpu.memory_space<semaphore_mem>>
      %dma_start3A = arith.constant 0 : i32
      %dma_start3A_43 = arith.constant 0 : i32
      %dma_start3A_44 = tpu.memref_slice %arg8[%dma_start3A, %dma_start3A_43] : memref<128x128xf32, #tpu.memory_space<vmem>> -> memref<120x128xf32, #tpu.memory_space<vmem>>
      %dma_start3A_45 = arith.constant 0 : i32
      %dma_start3A_46 = tpu.memref_slice %arg6[%add3A_17, %dma_start3A_45] : memref<10112x128xf32, #tpu.memory_space<vmem_shared>> -> memref<120x128xf32, #tpu.memory_space<vmem_shared>>
      %dma_start3A_47 = arith.constant 0 : i32
      %dma_start3A_48 = tpu.memref_slice %arg6[%add3A_17, %dma_start3A_47] : memref<10112x128xf32, #tpu.memory_space<vmem_shared>> -> memref<120x128xf32, #tpu.memory_space<vmem_shared>>
      %dma_start3A_49 = arith.constant 0 : i32
      %dma_start3A_50 = arith.constant 0 : i32
      %dma_start3A_51 = tpu.memref_slice %arg8[%dma_start3A_49, %dma_start3A_50] : memref<128x128xf32, #tpu.memory_space<vmem>> -> memref<120x128xf32, #tpu.memory_space<vmem>>
      tpu.enqueue_dma source(%dma_start3A_51 : memref<120x128xf32, #tpu.memory_space<vmem>>) target(%dma_start3A_48 : memref<120x128xf32, #tpu.memory_space<vmem_shared>>) target_semaphore(%run_scoped3A : memref<!tpu.dma_semaphore, #tpu.memory_space<semaphore_mem>>)
      %dma_wait3A = arith.constant 0 : i32
      %dma_wait3A_52 = arith.constant 0 : i32
      %dma_wait3A_53 = tpu.memref_slice %arg8[%dma_wait3A, %dma_wait3A_52] : memref<128x128xf32, #tpu.memory_space<vmem>> -> memref<120x128xf32, #tpu.memory_space<vmem>>
      %dma_wait3A_54 = arith.constant 0 : i32
      %dma_wait3A_55 = tpu.memref_slice %arg6[%add3A_17, %dma_wait3A_54] : memref<10112x128xf32, #tpu.memory_space<vmem_shared>> -> memref<120x128xf32, #tpu.memory_space<vmem_shared>>
      %dma_wait3A_56 = arith.constant 0 : i32
      %dma_wait3A_57 = tpu.memref_slice %arg6[%add3A_17, %dma_wait3A_56] : memref<10112x128xf32, #tpu.memory_space<vmem_shared>> -> memref<120x128xf32, #tpu.memory_space<vmem_shared>>
      %dma_wait3A_58 = arith.constant 0 : i32
      %dma_wait3A_59 = arith.constant 0 : i32
      %dma_wait3A_60 = tpu.memref_slice %arg8[%dma_wait3A_58, %dma_wait3A_59] : memref<128x128xf32, #tpu.memory_space<vmem>> -> memref<120x128xf32, #tpu.memory_space<vmem>>
      tpu.wait_dma2 semaphore(%run_scoped3A : memref<!tpu.dma_semaphore, #tpu.memory_space<semaphore_mem>>) src(%dma_wait3A_60 : memref<120x128xf32, #tpu.memory_space<vmem>>) dst(%dma_wait3A_57 : memref<120x128xf32, #tpu.memory_space<vmem_shared>>)
      tpu.yield
    }) : () -> ()
    "tpu.region"() ({
      %run_scoped3A = tpu.sem_alloc : memref<!tpu.dma_semaphore, #tpu.memory_space<semaphore_mem>>
      tpu.enqueue_dma source(%arg4 : memref<128x128xf32, #tpu.memory_space<hbm>>) target(%arg8 : memref<128x128xf32, #tpu.memory_space<vmem>>) target_semaphore(%run_scoped3A : memref<!tpu.dma_semaphore, #tpu.memory_space<semaphore_mem>>)
      tpu.wait_dma2 semaphore(%run_scoped3A : memref<!tpu.dma_semaphore, #tpu.memory_space<semaphore_mem>>) src(%arg4 : memref<128x128xf32, #tpu.memory_space<hbm>>) dst(%arg8 : memref<128x128xf32, #tpu.memory_space<vmem>>)
      tpu.yield
    }) : () -> ()
    %barrier3A = arith.constant 0 : index
    tpu.barrier barrier_id(%barrier3A)
    %scan3A = arith.constant 0 : i32
    %scan3A_18 = arith.constant 80 : i32
    %scan3A_19 = arith.addi %scan3A, %scan3A_18 : i32
    %scan3A_20 = arith.constant 1 : i32
    scf.for %scan3A_43 = %scan3A to %scan3A_19 step %scan3A_20  : i32 {
      %mul3A_44 = arith.constant 1 : i32
      %mul3A_45 = arith.muli %scan3A_43, %mul3A_44 : i32
      %add3A_46 = arith.constant 0 : i32
      %add3A_47 = arith.addi %add3A_46, %mul3A_45 : i32
      %mul3A_48 = arith.constant 10240 : i32
      %mul3A_49 = arith.muli %add3A, %mul3A_48 : i32
      %mul3A_50 = arith.constant 128 : i32
      %mul3A_51 = arith.muli %add3A_47, %mul3A_50 : i32
      %add3A_52 = arith.addi %mul3A_49, %mul3A_51 : i32
      "tpu.region"() ({
        %run_scoped3A = tpu.sem_alloc : memref<!tpu.dma_semaphore, #tpu.memory_space<semaphore_mem>>
        %dma_start3A = tpu.memref_slice %arg2[%add3A_52] : memref<327808xi32, #tpu.memory_space<hbm>> -> memref<128xi32, #tpu.memory_space<hbm>>
        %dma_start3A_53 = tpu.memref_slice %arg2[%add3A_52] : memref<327808xi32, #tpu.memory_space<hbm>> -> memref<128xi32, #tpu.memory_space<hbm>>
        tpu.enqueue_dma source(%dma_start3A_53 : memref<128xi32, #tpu.memory_space<hbm>>) target(%arg7 : memref<128xi32, #tpu.memory_space<vmem>>) target_semaphore(%run_scoped3A : memref<!tpu.dma_semaphore, #tpu.memory_space<semaphore_mem>>)
        %dma_wait3A = tpu.memref_slice %arg2[%add3A_52] : memref<327808xi32, #tpu.memory_space<hbm>> -> memref<128xi32, #tpu.memory_space<hbm>>
        %dma_wait3A_54 = tpu.memref_slice %arg2[%add3A_52] : memref<327808xi32, #tpu.memory_space<hbm>> -> memref<128xi32, #tpu.memory_space<hbm>>
        tpu.wait_dma2 semaphore(%run_scoped3A : memref<!tpu.dma_semaphore, #tpu.memory_space<semaphore_mem>>) src(%dma_wait3A_54 : memref<128xi32, #tpu.memory_space<hbm>>) dst(%arg7 : memref<128xi32, #tpu.memory_space<vmem>>)
        tpu.yield
      }) : () -> ()
      "tpu.region"() ({
        %run_scoped3A = tpu.sem_alloc : memref<!tpu.dma_semaphore, #tpu.memory_space<semaphore_mem>>
        %dma_start3A = arith.constant 0 : i32
        %dma_start3A_53 = arith.constant 0 : i32
        %dma_start3A_54 = tpu.memref_slice %arg6[%dma_start3A, %dma_start3A_53] : memref<10112x128xf32, #tpu.memory_space<vmem_shared>> -> memref<10112x128xf32, #tpu.memory_space<vmem_shared>>
        tpu.enqueue_indirect_dma source(%arg8 : memref<128x128xf32, #tpu.memory_space<vmem>>) target(%dma_start3A_54 : memref<10112x128xf32, #tpu.memory_space<vmem_shared>>) offsets(%arg7 : memref<128xi32, #tpu.memory_space<vmem>>) semaphore(%run_scoped3A : memref<!tpu.dma_semaphore, #tpu.memory_space<semaphore_mem>>) {add = true}
        %dma_wait3A = arith.constant 0 : i32
        %dma_wait3A_55 = arith.constant 0 : i32
        %dma_wait3A_56 = tpu.memref_slice %arg6[%dma_wait3A, %dma_wait3A_55] : memref<10112x128xf32, #tpu.memory_space<vmem_shared>> -> memref<10112x128xf32, #tpu.memory_space<vmem_shared>>
        tpu.wait_indirect_dma semaphore(%run_scoped3A : memref<!tpu.dma_semaphore, #tpu.memory_space<semaphore_mem>>) src(%arg8 : memref<128x128xf32, #tpu.memory_space<vmem>>) dst(%dma_wait3A_56 : memref<10112x128xf32, #tpu.memory_space<vmem_shared>>)
        tpu.yield
      }) : () -> ()
    }
    %scan3A_21 = arith.constant 80 : i32
    %barrier3A_22 = arith.constant 0 : index
    tpu.barrier barrier_id(%barrier3A_22)
    %add3A_23 = arith.constant 0 : i32
    %add3A_24 = arith.addi %mul3A_2, %add3A_23 : i32
    "tpu.region"() ({
      %run_scoped3A = tpu.sem_alloc : memref<!tpu.dma_semaphore, #tpu.memory_space<semaphore_mem>>
      %dma_start3A = arith.constant 0 : i32
      %dma_start3A_43 = arith.constant 0 : i32
      %dma_start3A_44 = tpu.memref_slice %arg8[%dma_start3A, %dma_start3A_43] : memref<128x128xf32, #tpu.memory_space<vmem>> -> memref<128x128xf32, #tpu.memory_space<vmem>>
      %dma_start3A_45 = arith.constant 0 : i32
      %dma_start3A_46 = tpu.memref_slice %arg6[%add3A_24, %dma_start3A_45] : memref<10112x128xf32, #tpu.memory_space<vmem_shared>> -> memref<128x128xf32, #tpu.memory_space<vmem_shared>>
      %dma_start3A_47 = arith.constant 0 : i32
      %dma_start3A_48 = arith.constant 0 : i32
      %dma_start3A_49 = tpu.memref_slice %arg8[%dma_start3A_47, %dma_start3A_48] : memref<128x128xf32, #tpu.memory_space<vmem>> -> memref<128x128xf32, #tpu.memory_space<vmem>>
      %dma_start3A_50 = arith.constant 0 : i32
      %dma_start3A_51 = tpu.memref_slice %arg6[%add3A_24, %dma_start3A_50] : memref<10112x128xf32, #tpu.memory_space<vmem_shared>> -> memref<128x128xf32, #tpu.memory_space<vmem_shared>>
      tpu.enqueue_dma source(%dma_start3A_51 : memref<128x128xf32, #tpu.memory_space<vmem_shared>>) target(%dma_start3A_49 : memref<128x128xf32, #tpu.memory_space<vmem>>) target_semaphore(%run_scoped3A : memref<!tpu.dma_semaphore, #tpu.memory_space<semaphore_mem>>)
      %dma_wait3A = arith.constant 0 : i32
      %dma_wait3A_52 = arith.constant 0 : i32
      %dma_wait3A_53 = tpu.memref_slice %arg8[%dma_wait3A, %dma_wait3A_52] : memref<128x128xf32, #tpu.memory_space<vmem>> -> memref<128x128xf32, #tpu.memory_space<vmem>>
      %dma_wait3A_54 = arith.constant 0 : i32
      %dma_wait3A_55 = tpu.memref_slice %arg6[%add3A_24, %dma_wait3A_54] : memref<10112x128xf32, #tpu.memory_space<vmem_shared>> -> memref<128x128xf32, #tpu.memory_space<vmem_shared>>
      %dma_wait3A_56 = arith.constant 0 : i32
      %dma_wait3A_57 = arith.constant 0 : i32
      %dma_wait3A_58 = tpu.memref_slice %arg8[%dma_wait3A_56, %dma_wait3A_57] : memref<128x128xf32, #tpu.memory_space<vmem>> -> memref<128x128xf32, #tpu.memory_space<vmem>>
      %dma_wait3A_59 = arith.constant 0 : i32
      %dma_wait3A_60 = tpu.memref_slice %arg6[%add3A_24, %dma_wait3A_59] : memref<10112x128xf32, #tpu.memory_space<vmem_shared>> -> memref<128x128xf32, #tpu.memory_space<vmem_shared>>
      tpu.wait_dma2 semaphore(%run_scoped3A : memref<!tpu.dma_semaphore, #tpu.memory_space<semaphore_mem>>) src(%dma_wait3A_60 : memref<128x128xf32, #tpu.memory_space<vmem_shared>>) dst(%dma_wait3A_58 : memref<128x128xf32, #tpu.memory_space<vmem>>)
      tpu.yield
    }) : () -> ()
    %add3A_25 = arith.constant 0 : i32
    %add3A_26 = arith.addi %add3A_7, %add3A_25 : i32
    "tpu.region"() ({
      %run_scoped3A = tpu.sem_alloc : memref<!tpu.dma_semaphore, #tpu.memory_space<semaphore_mem>>
      %dma_start3A = arith.constant 0 : i32
      %dma_start3A_43 = arith.constant 0 : i32
      %dma_start3A_44 = tpu.memref_slice %arg8[%dma_start3A, %dma_start3A_43] : memref<128x128xf32, #tpu.memory_space<vmem>> -> memref<128x128xf32, #tpu.memory_space<vmem>>
      %dma_start3A_45 = arith.constant 0 : i32
      %dma_start3A_46 = tpu.memref_slice %arg5[%add3A_26, %dma_start3A_45] : memref<20224x128xf32, #tpu.memory_space<hbm>> -> memref<128x128xf32, #tpu.memory_space<hbm>>
      %dma_start3A_47 = arith.constant 0 : i32
      %dma_start3A_48 = tpu.memref_slice %arg5[%add3A_26, %dma_start3A_47] : memref<20224x128xf32, #tpu.memory_space<hbm>> -> memref<128x128xf32, #tpu.memory_space<hbm>>
      %dma_start3A_49 = arith.constant 0 : i32
      %dma_start3A_50 = arith.constant 0 : i32
      %dma_start3A_51 = tpu.memref_slice %arg8[%dma_start3A_49, %dma_start3A_50] : memref<128x128xf32, #tpu.memory_space<vmem>> -> memref<128x128xf32, #tpu.memory_space<vmem>>
      tpu.enqueue_dma source(%dma_start3A_51 : memref<128x128xf32, #tpu.memory_space<vmem>>) target(%dma_start3A_48 : memref<128x128xf32, #tpu.memory_space<hbm>>) target_semaphore(%run_scoped3A : memref<!tpu.dma_semaphore, #tpu.memory_space<semaphore_mem>>)
      %dma_wait3A = arith.constant 0 : i32
      %dma_wait3A_52 = arith.constant 0 : i32
      %dma_wait3A_53 = tpu.memref_slice %arg8[%dma_wait3A, %dma_wait3A_52] : memref<128x128xf32, #tpu.memory_space<vmem>> -> memref<128x128xf32, #tpu.memory_space<vmem>>
      %dma_wait3A_54 = arith.constant 0 : i32
      %dma_wait3A_55 = tpu.memref_slice %arg5[%add3A_26, %dma_wait3A_54] : memref<20224x128xf32, #tpu.memory_space<hbm>> -> memref<128x128xf32, #tpu.memory_space<hbm>>
      %dma_wait3A_56 = arith.constant 0 : i32
      %dma_wait3A_57 = tpu.memref_slice %arg5[%add3A_26, %dma_wait3A_56] : memref<20224x128xf32, #tpu.memory_space<hbm>> -> memref<128x128xf32, #tpu.memory_space<hbm>>
      %dma_wait3A_58 = arith.constant 0 : i32
      %dma_wait3A_59 = arith.constant 0 : i32
      %dma_wait3A_60 = tpu.memref_slice %arg8[%dma_wait3A_58, %dma_wait3A_59] : memref<128x128xf32, #tpu.memory_space<vmem>> -> memref<128x128xf32, #tpu.memory_space<vmem>>
      tpu.wait_dma2 semaphore(%run_scoped3A : memref<!tpu.dma_semaphore, #tpu.memory_space<semaphore_mem>>) src(%dma_wait3A_60 : memref<128x128xf32, #tpu.memory_space<vmem>>) dst(%dma_wait3A_57 : memref<128x128xf32, #tpu.memory_space<hbm>>)
      tpu.yield
    }) : () -> ()
    %add3A_27 = arith.constant 128 : i32
    %add3A_28 = arith.addi %mul3A_2, %add3A_27 : i32
    "tpu.region"() ({
      %run_scoped3A = tpu.sem_alloc : memref<!tpu.dma_semaphore, #tpu.memory_space<semaphore_mem>>
      %dma_start3A = arith.constant 0 : i32
      %dma_start3A_43 = arith.constant 0 : i32
      %dma_start3A_44 = tpu.memref_slice %arg8[%dma_start3A, %dma_start3A_43] : memref<128x128xf32, #tpu.memory_space<vmem>> -> memref<128x128xf32, #tpu.memory_space<vmem>>
      %dma_start3A_45 = arith.constant 0 : i32
      %dma_start3A_46 = tpu.memref_slice %arg6[%add3A_28, %dma_start3A_45] : memref<10112x128xf32, #tpu.memory_space<vmem_shared>> -> memref<128x128xf32, #tpu.memory_space<vmem_shared>>
      %dma_start3A_47 = arith.constant 0 : i32
      %dma_start3A_48 = arith.constant 0 : i32
      %dma_start3A_49 = tpu.memref_slice %arg8[%dma_start3A_47, %dma_start3A_48] : memref<128x128xf32, #tpu.memory_space<vmem>> -> memref<128x128xf32, #tpu.memory_space<vmem>>
      %dma_start3A_50 = arith.constant 0 : i32
      %dma_start3A_51 = tpu.memref_slice %arg6[%add3A_28, %dma_start3A_50] : memref<10112x128xf32, #tpu.memory_space<vmem_shared>> -> memref<128x128xf32, #tpu.memory_space<vmem_shared>>
      tpu.enqueue_dma source(%dma_start3A_51 : memref<128x128xf32, #tpu.memory_space<vmem_shared>>) target(%dma_start3A_49 : memref<128x128xf32, #tpu.memory_space<vmem>>) target_semaphore(%run_scoped3A : memref<!tpu.dma_semaphore, #tpu.memory_space<semaphore_mem>>)
      %dma_wait3A = arith.constant 0 : i32
      %dma_wait3A_52 = arith.constant 0 : i32
      %dma_wait3A_53 = tpu.memref_slice %arg8[%dma_wait3A, %dma_wait3A_52] : memref<128x128xf32, #tpu.memory_space<vmem>> -> memref<128x128xf32, #tpu.memory_space<vmem>>
      %dma_wait3A_54 = arith.constant 0 : i32
      %dma_wait3A_55 = tpu.memref_slice %arg6[%add3A_28, %dma_wait3A_54] : memref<10112x128xf32, #tpu.memory_space<vmem_shared>> -> memref<128x128xf32, #tpu.memory_space<vmem_shared>>
      %dma_wait3A_56 = arith.constant 0 : i32
      %dma_wait3A_57 = arith.constant 0 : i32
      %dma_wait3A_58 = tpu.memref_slice %arg8[%dma_wait3A_56, %dma_wait3A_57] : memref<128x128xf32, #tpu.memory_space<vmem>> -> memref<128x128xf32, #tpu.memory_space<vmem>>
      %dma_wait3A_59 = arith.constant 0 : i32
      %dma_wait3A_60 = tpu.memref_slice %arg6[%add3A_28, %dma_wait3A_59] : memref<10112x128xf32, #tpu.memory_space<vmem_shared>> -> memref<128x128xf32, #tpu.memory_space<vmem_shared>>
      tpu.wait_dma2 semaphore(%run_scoped3A : memref<!tpu.dma_semaphore, #tpu.memory_space<semaphore_mem>>) src(%dma_wait3A_60 : memref<128x128xf32, #tpu.memory_space<vmem_shared>>) dst(%dma_wait3A_58 : memref<128x128xf32, #tpu.memory_space<vmem>>)
      tpu.yield
    }) : () -> ()
    %add3A_29 = arith.constant 128 : i32
    %add3A_30 = arith.addi %add3A_7, %add3A_29 : i32
    "tpu.region"() ({
      %run_scoped3A = tpu.sem_alloc : memref<!tpu.dma_semaphore, #tpu.memory_space<semaphore_mem>>
      %dma_start3A = arith.constant 0 : i32
      %dma_start3A_43 = arith.constant 0 : i32
      %dma_start3A_44 = tpu.memref_slice %arg8[%dma_start3A, %dma_start3A_43] : memref<128x128xf32, #tpu.memory_space<vmem>> -> memref<128x128xf32, #tpu.memory_space<vmem>>
      %dma_start3A_45 = arith.constant 0 : i32
      %dma_start3A_46 = tpu.memref_slice %arg5[%add3A_30, %dma_start3A_45] : memref<20224x128xf32, #tpu.memory_space<hbm>> -> memref<128x128xf32, #tpu.memory_space<hbm>>
      %dma_start3A_47 = arith.constant 0 : i32
      %dma_start3A_48 = tpu.memref_slice %arg5[%add3A_30, %dma_start3A_47] : memref<20224x128xf32, #tpu.memory_space<hbm>> -> memref<128x128xf32, #tpu.memory_space<hbm>>
      %dma_start3A_49 = arith.constant 0 : i32
      %dma_start3A_50 = arith.constant 0 : i32
      %dma_start3A_51 = tpu.memref_slice %arg8[%dma_start3A_49, %dma_start3A_50] : memref<128x128xf32, #tpu.memory_space<vmem>> -> memref<128x128xf32, #tpu.memory_space<vmem>>
      tpu.enqueue_dma source(%dma_start3A_51 : memref<128x128xf32, #tpu.memory_space<vmem>>) target(%dma_start3A_48 : memref<128x128xf32, #tpu.memory_space<hbm>>) target_semaphore(%run_scoped3A : memref<!tpu.dma_semaphore, #tpu.memory_space<semaphore_mem>>)
      %dma_wait3A = arith.constant 0 : i32
      %dma_wait3A_52 = arith.constant 0 : i32
      %dma_wait3A_53 = tpu.memref_slice %arg8[%dma_wait3A, %dma_wait3A_52] : memref<128x128xf32, #tpu.memory_space<vmem>> -> memref<128x128xf32, #tpu.memory_space<vmem>>
      %dma_wait3A_54 = arith.constant 0 : i32
      %dma_wait3A_55 = tpu.memref_slice %arg5[%add3A_30, %dma_wait3A_54] : memref<20224x128xf32, #tpu.memory_space<hbm>> -> memref<128x128xf32, #tpu.memory_space<hbm>>
      %dma_wait3A_56 = arith.constant 0 : i32
      %dma_wait3A_57 = tpu.memref_slice %arg5[%add3A_30, %dma_wait3A_56] : memref<20224x128xf32, #tpu.memory_space<hbm>> -> memref<128x128xf32, #tpu.memory_space<hbm>>
      %dma_wait3A_58 = arith.constant 0 : i32
      %dma_wait3A_59 = arith.constant 0 : i32
      %dma_wait3A_60 = tpu.memref_slice %arg8[%dma_wait3A_58, %dma_wait3A_59] : memref<128x128xf32, #tpu.memory_space<vmem>> -> memref<128x128xf32, #tpu.memory_space<vmem>>
      tpu.wait_dma2 semaphore(%run_scoped3A : memref<!tpu.dma_semaphore, #tpu.memory_space<semaphore_mem>>) src(%dma_wait3A_60 : memref<128x128xf32, #tpu.memory_space<vmem>>) dst(%dma_wait3A_57 : memref<128x128xf32, #tpu.memory_space<hbm>>)
      tpu.yield
    }) : () -> ()
    %add3A_31 = arith.constant 256 : i32
    %add3A_32 = arith.addi %mul3A_2, %add3A_31 : i32
    "tpu.region"() ({
      %run_scoped3A = tpu.sem_alloc : memref<!tpu.dma_semaphore, #tpu.memory_space<semaphore_mem>>
      %dma_start3A = arith.constant 0 : i32
      %dma_start3A_43 = arith.constant 0 : i32
      %dma_start3A_44 = tpu.memref_slice %arg8[%dma_start3A, %dma_start3A_43] : memref<128x128xf32, #tpu.memory_space<vmem>> -> memref<128x128xf32, #tpu.memory_space<vmem>>
      %dma_start3A_45 = arith.constant 0 : i32
      %dma_start3A_46 = tpu.memref_slice %arg6[%add3A_32, %dma_start3A_45] : memref<10112x128xf32, #tpu.memory_space<vmem_shared>> -> memref<128x128xf32, #tpu.memory_space<vmem_shared>>
      %dma_start3A_47 = arith.constant 0 : i32
      %dma_start3A_48 = arith.constant 0 : i32
      %dma_start3A_49 = tpu.memref_slice %arg8[%dma_start3A_47, %dma_start3A_48] : memref<128x128xf32, #tpu.memory_space<vmem>> -> memref<128x128xf32, #tpu.memory_space<vmem>>
      %dma_start3A_50 = arith.constant 0 : i32
      %dma_start3A_51 = tpu.memref_slice %arg6[%add3A_32, %dma_start3A_50] : memref<10112x128xf32, #tpu.memory_space<vmem_shared>> -> memref<128x128xf32, #tpu.memory_space<vmem_shared>>
      tpu.enqueue_dma source(%dma_start3A_51 : memref<128x128xf32, #tpu.memory_space<vmem_shared>>) target(%dma_start3A_49 : memref<128x128xf32, #tpu.memory_space<vmem>>) target_semaphore(%run_scoped3A : memref<!tpu.dma_semaphore, #tpu.memory_space<semaphore_mem>>)
      %dma_wait3A = arith.constant 0 : i32
      %dma_wait3A_52 = arith.constant 0 : i32
      %dma_wait3A_53 = tpu.memref_slice %arg8[%dma_wait3A, %dma_wait3A_52] : memref<128x128xf32, #tpu.memory_space<vmem>> -> memref<128x128xf32, #tpu.memory_space<vmem>>
      %dma_wait3A_54 = arith.constant 0 : i32
      %dma_wait3A_55 = tpu.memref_slice %arg6[%add3A_32, %dma_wait3A_54] : memref<10112x128xf32, #tpu.memory_space<vmem_shared>> -> memref<128x128xf32, #tpu.memory_space<vmem_shared>>
      %dma_wait3A_56 = arith.constant 0 : i32
      %dma_wait3A_57 = arith.constant 0 : i32
      %dma_wait3A_58 = tpu.memref_slice %arg8[%dma_wait3A_56, %dma_wait3A_57] : memref<128x128xf32, #tpu.memory_space<vmem>> -> memref<128x128xf32, #tpu.memory_space<vmem>>
      %dma_wait3A_59 = arith.constant 0 : i32
      %dma_wait3A_60 = tpu.memref_slice %arg6[%add3A_32, %dma_wait3A_59] : memref<10112x128xf32, #tpu.memory_space<vmem_shared>> -> memref<128x128xf32, #tpu.memory_space<vmem_shared>>
      tpu.wait_dma2 semaphore(%run_scoped3A : memref<!tpu.dma_semaphore, #tpu.memory_space<semaphore_mem>>) src(%dma_wait3A_60 : memref<128x128xf32, #tpu.memory_space<vmem_shared>>) dst(%dma_wait3A_58 : memref<128x128xf32, #tpu.memory_space<vmem>>)
      tpu.yield
    }) : () -> ()
    %add3A_33 = arith.constant 256 : i32
    %add3A_34 = arith.addi %add3A_7, %add3A_33 : i32
    "tpu.region"() ({
      %run_scoped3A = tpu.sem_alloc : memref<!tpu.dma_semaphore, #tpu.memory_space<semaphore_mem>>
      %dma_start3A = arith.constant 0 : i32
      %dma_start3A_43 = arith.constant 0 : i32
      %dma_start3A_44 = tpu.memref_slice %arg8[%dma_start3A, %dma_start3A_43] : memref<128x128xf32, #tpu.memory_space<vmem>> -> memref<128x128xf32, #tpu.memory_space<vmem>>
      %dma_start3A_45 = arith.constant 0 : i32
      %dma_start3A_46 = tpu.memref_slice %arg5[%add3A_34, %dma_start3A_45] : memref<20224x128xf32, #tpu.memory_space<hbm>> -> memref<128x128xf32, #tpu.memory_space<hbm>>
      %dma_start3A_47 = arith.constant 0 : i32
      %dma_start3A_48 = tpu.memref_slice %arg5[%add3A_34, %dma_start3A_47] : memref<20224x128xf32, #tpu.memory_space<hbm>> -> memref<128x128xf32, #tpu.memory_space<hbm>>
      %dma_start3A_49 = arith.constant 0 : i32
      %dma_start3A_50 = arith.constant 0 : i32
      %dma_start3A_51 = tpu.memref_slice %arg8[%dma_start3A_49, %dma_start3A_50] : memref<128x128xf32, #tpu.memory_space<vmem>> -> memref<128x128xf32, #tpu.memory_space<vmem>>
      tpu.enqueue_dma source(%dma_start3A_51 : memref<128x128xf32, #tpu.memory_space<vmem>>) target(%dma_start3A_48 : memref<128x128xf32, #tpu.memory_space<hbm>>) target_semaphore(%run_scoped3A : memref<!tpu.dma_semaphore, #tpu.memory_space<semaphore_mem>>)
      %dma_wait3A = arith.constant 0 : i32
      %dma_wait3A_52 = arith.constant 0 : i32
      %dma_wait3A_53 = tpu.memref_slice %arg8[%dma_wait3A, %dma_wait3A_52] : memref<128x128xf32, #tpu.memory_space<vmem>> -> memref<128x128xf32, #tpu.memory_space<vmem>>
      %dma_wait3A_54 = arith.constant 0 : i32
      %dma_wait3A_55 = tpu.memref_slice %arg5[%add3A_34, %dma_wait3A_54] : memref<20224x128xf32, #tpu.memory_space<hbm>> -> memref<128x128xf32, #tpu.memory_space<hbm>>
      %dma_wait3A_56 = arith.constant 0 : i32
      %dma_wait3A_57 = tpu.memref_slice %arg5[%add3A_34, %dma_wait3A_56] : memref<20224x128xf32, #tpu.memory_space<hbm>> -> memref<128x128xf32, #tpu.memory_space<hbm>>
      %dma_wait3A_58 = arith.constant 0 : i32
      %dma_wait3A_59 = arith.constant 0 : i32
      %dma_wait3A_60 = tpu.memref_slice %arg8[%dma_wait3A_58, %dma_wait3A_59] : memref<128x128xf32, #tpu.memory_space<vmem>> -> memref<128x128xf32, #tpu.memory_space<vmem>>
      tpu.wait_dma2 semaphore(%run_scoped3A : memref<!tpu.dma_semaphore, #tpu.memory_space<semaphore_mem>>) src(%dma_wait3A_60 : memref<128x128xf32, #tpu.memory_space<vmem>>) dst(%dma_wait3A_57 : memref<128x128xf32, #tpu.memory_space<hbm>>)
      tpu.yield
    }) : () -> ()
    %add3A_35 = arith.constant 384 : i32
    %add3A_36 = arith.addi %mul3A_2, %add3A_35 : i32
    "tpu.region"() ({
      %run_scoped3A = tpu.sem_alloc : memref<!tpu.dma_semaphore, #tpu.memory_space<semaphore_mem>>
      %dma_start3A = arith.constant 0 : i32
      %dma_start3A_43 = arith.constant 0 : i32
      %dma_start3A_44 = tpu.memref_slice %arg8[%dma_start3A, %dma_start3A_43] : memref<128x128xf32, #tpu.memory_space<vmem>> -> memref<128x128xf32, #tpu.memory_space<vmem>>
      %dma_start3A_45 = arith.constant 0 : i32
      %dma_start3A_46 = tpu.memref_slice %arg6[%add3A_36, %dma_start3A_45] : memref<10112x128xf32, #tpu.memory_space<vmem_shared>> -> memref<128x128xf32, #tpu.memory_space<vmem_shared>>
      %dma_start3A_47 = arith.constant 0 : i32
      %dma_start3A_48 = arith.constant 0 : i32
      %dma_start3A_49 = tpu.memref_slice %arg8[%dma_start3A_47, %dma_start3A_48] : memref<128x128xf32, #tpu.memory_space<vmem>> -> memref<128x128xf32, #tpu.memory_space<vmem>>
      %dma_start3A_50 = arith.constant 0 : i32
      %dma_start3A_51 = tpu.memref_slice %arg6[%add3A_36, %dma_start3A_50] : memref<10112x128xf32, #tpu.memory_space<vmem_shared>> -> memref<128x128xf32, #tpu.memory_space<vmem_shared>>
      tpu.enqueue_dma source(%dma_start3A_51 : memref<128x128xf32, #tpu.memory_space<vmem_shared>>) target(%dma_start3A_49 : memref<128x128xf32, #tpu.memory_space<vmem>>) target_semaphore(%run_scoped3A : memref<!tpu.dma_semaphore, #tpu.memory_space<semaphore_mem>>)
      %dma_wait3A = arith.constant 0 : i32
      %dma_wait3A_52 = arith.constant 0 : i32
      %dma_wait3A_53 = tpu.memref_slice %arg8[%dma_wait3A, %dma_wait3A_52] : memref<128x128xf32, #tpu.memory_space<vmem>> -> memref<128x128xf32, #tpu.memory_space<vmem>>
      %dma_wait3A_54 = arith.constant 0 : i32
      %dma_wait3A_55 = tpu.memref_slice %arg6[%add3A_36, %dma_wait3A_54] : memref<10112x128xf32, #tpu.memory_space<vmem_shared>> -> memref<128x128xf32, #tpu.memory_space<vmem_shared>>
      %dma_wait3A_56 = arith.constant 0 : i32
      %dma_wait3A_57 = arith.constant 0 : i32
      %dma_wait3A_58 = tpu.memref_slice %arg8[%dma_wait3A_56, %dma_wait3A_57] : memref<128x128xf32, #tpu.memory_space<vmem>> -> memref<128x128xf32, #tpu.memory_space<vmem>>
      %dma_wait3A_59 = arith.constant 0 : i32
      %dma_wait3A_60 = tpu.memref_slice %arg6[%add3A_36, %dma_wait3A_59] : memref<10112x128xf32, #tpu.memory_space<vmem_shared>> -> memref<128x128xf32, #tpu.memory_space<vmem_shared>>
      tpu.wait_dma2 semaphore(%run_scoped3A : memref<!tpu.dma_semaphore, #tpu.memory_space<semaphore_mem>>) src(%dma_wait3A_60 : memref<128x128xf32, #tpu.memory_space<vmem_shared>>) dst(%dma_wait3A_58 : memref<128x128xf32, #tpu.memory_space<vmem>>)
      tpu.yield
    }) : () -> ()
    %add3A_37 = arith.constant 384 : i32
    %add3A_38 = arith.addi %add3A_7, %add3A_37 : i32
    "tpu.region"() ({
      %run_scoped3A = tpu.sem_alloc : memref<!tpu.dma_semaphore, #tpu.memory_space<semaphore_mem>>
      %dma_start3A = arith.constant 0 : i32
      %dma_start3A_43 = arith.constant 0 : i32
      %dma_start3A_44 = tpu.memref_slice %arg8[%dma_start3A, %dma_start3A_43] : memref<128x128xf32, #tpu.memory_space<vmem>> -> memref<128x128xf32, #tpu.memory_space<vmem>>
      %dma_start3A_45 = arith.constant 0 : i32
      %dma_start3A_46 = tpu.memref_slice %arg5[%add3A_38, %dma_start3A_45] : memref<20224x128xf32, #tpu.memory_space<hbm>> -> memref<128x128xf32, #tpu.memory_space<hbm>>
      %dma_start3A_47 = arith.constant 0 : i32
      %dma_start3A_48 = tpu.memref_slice %arg5[%add3A_38, %dma_start3A_47] : memref<20224x128xf32, #tpu.memory_space<hbm>> -> memref<128x128xf32, #tpu.memory_space<hbm>>
      %dma_start3A_49 = arith.constant 0 : i32
      %dma_start3A_50 = arith.constant 0 : i32
      %dma_start3A_51 = tpu.memref_slice %arg8[%dma_start3A_49, %dma_start3A_50] : memref<128x128xf32, #tpu.memory_space<vmem>> -> memref<128x128xf32, #tpu.memory_space<vmem>>
      tpu.enqueue_dma source(%dma_start3A_51 : memref<128x128xf32, #tpu.memory_space<vmem>>) target(%dma_start3A_48 : memref<128x128xf32, #tpu.memory_space<hbm>>) target_semaphore(%run_scoped3A : memref<!tpu.dma_semaphore, #tpu.memory_space<semaphore_mem>>)
      %dma_wait3A = arith.constant 0 : i32
      %dma_wait3A_52 = arith.constant 0 : i32
      %dma_wait3A_53 = tpu.memref_slice %arg8[%dma_wait3A, %dma_wait3A_52] : memref<128x128xf32, #tpu.memory_space<vmem>> -> memref<128x128xf32, #tpu.memory_space<vmem>>
      %dma_wait3A_54 = arith.constant 0 : i32
      %dma_wait3A_55 = tpu.memref_slice %arg5[%add3A_38, %dma_wait3A_54] : memref<20224x128xf32, #tpu.memory_space<hbm>> -> memref<128x128xf32, #tpu.memory_space<hbm>>
      %dma_wait3A_56 = arith.constant 0 : i32
      %dma_wait3A_57 = tpu.memref_slice %arg5[%add3A_38, %dma_wait3A_56] : memref<20224x128xf32, #tpu.memory_space<hbm>> -> memref<128x128xf32, #tpu.memory_space<hbm>>
      %dma_wait3A_58 = arith.constant 0 : i32
      %dma_wait3A_59 = arith.constant 0 : i32
      %dma_wait3A_60 = tpu.memref_slice %arg8[%dma_wait3A_58, %dma_wait3A_59] : memref<128x128xf32, #tpu.memory_space<vmem>> -> memref<128x128xf32, #tpu.memory_space<vmem>>
      tpu.wait_dma2 semaphore(%run_scoped3A : memref<!tpu.dma_semaphore, #tpu.memory_space<semaphore_mem>>) src(%dma_wait3A_60 : memref<128x128xf32, #tpu.memory_space<vmem>>) dst(%dma_wait3A_57 : memref<128x128xf32, #tpu.memory_space<hbm>>)
      tpu.yield
    }) : () -> ()
    %add3A_39 = arith.constant 512 : i32
    %add3A_40 = arith.addi %mul3A_2, %add3A_39 : i32
    "tpu.region"() ({
      %run_scoped3A = tpu.sem_alloc : memref<!tpu.dma_semaphore, #tpu.memory_space<semaphore_mem>>
      %dma_start3A = arith.constant 0 : i32
      %dma_start3A_43 = arith.constant 0 : i32
      %dma_start3A_44 = tpu.memref_slice %arg8[%dma_start3A, %dma_start3A_43] : memref<128x128xf32, #tpu.memory_space<vmem>> -> memref<120x128xf32, #tpu.memory_space<vmem>>
      %dma_start3A_45 = arith.constant 0 : i32
      %dma_start3A_46 = tpu.memref_slice %arg6[%add3A_40, %dma_start3A_45] : memref<10112x128xf32, #tpu.memory_space<vmem_shared>> -> memref<120x128xf32, #tpu.memory_space<vmem_shared>>
      %dma_start3A_47 = arith.constant 0 : i32
      %dma_start3A_48 = arith.constant 0 : i32
      %dma_start3A_49 = tpu.memref_slice %arg8[%dma_start3A_47, %dma_start3A_48] : memref<128x128xf32, #tpu.memory_space<vmem>> -> memref<120x128xf32, #tpu.memory_space<vmem>>
      %dma_start3A_50 = arith.constant 0 : i32
      %dma_start3A_51 = tpu.memref_slice %arg6[%add3A_40, %dma_start3A_50] : memref<10112x128xf32, #tpu.memory_space<vmem_shared>> -> memref<120x128xf32, #tpu.memory_space<vmem_shared>>
      tpu.enqueue_dma source(%dma_start3A_51 : memref<120x128xf32, #tpu.memory_space<vmem_shared>>) target(%dma_start3A_49 : memref<120x128xf32, #tpu.memory_space<vmem>>) target_semaphore(%run_scoped3A : memref<!tpu.dma_semaphore, #tpu.memory_space<semaphore_mem>>)
      %dma_wait3A = arith.constant 0 : i32
      %dma_wait3A_52 = arith.constant 0 : i32
      %dma_wait3A_53 = tpu.memref_slice %arg8[%dma_wait3A, %dma_wait3A_52] : memref<128x128xf32, #tpu.memory_space<vmem>> -> memref<120x128xf32, #tpu.memory_space<vmem>>
      %dma_wait3A_54 = arith.constant 0 : i32
      %dma_wait3A_55 = tpu.memref_slice %arg6[%add3A_40, %dma_wait3A_54] : memref<10112x128xf32, #tpu.memory_space<vmem_shared>> -> memref<120x128xf32, #tpu.memory_space<vmem_shared>>
      %dma_wait3A_56 = arith.constant 0 : i32
      %dma_wait3A_57 = arith.constant 0 : i32
      %dma_wait3A_58 = tpu.memref_slice %arg8[%dma_wait3A_56, %dma_wait3A_57] : memref<128x128xf32, #tpu.memory_space<vmem>> -> memref<120x128xf32, #tpu.memory_space<vmem>>
      %dma_wait3A_59 = arith.constant 0 : i32
      %dma_wait3A_60 = tpu.memref_slice %arg6[%add3A_40, %dma_wait3A_59] : memref<10112x128xf32, #tpu.memory_space<vmem_shared>> -> memref<120x128xf32, #tpu.memory_space<vmem_shared>>
      tpu.wait_dma2 semaphore(%run_scoped3A : memref<!tpu.dma_semaphore, #tpu.memory_space<semaphore_mem>>) src(%dma_wait3A_60 : memref<120x128xf32, #tpu.memory_space<vmem_shared>>) dst(%dma_wait3A_58 : memref<120x128xf32, #tpu.memory_space<vmem>>)
      tpu.yield
    }) : () -> ()
    %add3A_41 = arith.constant 512 : i32
    %add3A_42 = arith.addi %add3A_7, %add3A_41 : i32
    "tpu.region"() ({
      %run_scoped3A = tpu.sem_alloc : memref<!tpu.dma_semaphore, #tpu.memory_space<semaphore_mem>>
      %dma_start3A = arith.constant 0 : i32
      %dma_start3A_43 = arith.constant 0 : i32
      %dma_start3A_44 = tpu.memref_slice %arg8[%dma_start3A, %dma_start3A_43] : memref<128x128xf32, #tpu.memory_space<vmem>> -> memref<120x128xf32, #tpu.memory_space<vmem>>
      %dma_start3A_45 = arith.constant 0 : i32
      %dma_start3A_46 = tpu.memref_slice %arg5[%add3A_42, %dma_start3A_45] : memref<20224x128xf32, #tpu.memory_space<hbm>> -> memref<120x128xf32, #tpu.memory_space<hbm>>
      %dma_start3A_47 = arith.constant 0 : i32
      %dma_start3A_48 = tpu.memref_slice %arg5[%add3A_42, %dma_start3A_47] : memref<20224x128xf32, #tpu.memory_space<hbm>> -> memref<120x128xf32, #tpu.memory_space<hbm>>
      %dma_start3A_49 = arith.constant 0 : i32
      %dma_start3A_50 = arith.constant 0 : i32
      %dma_start3A_51 = tpu.memref_slice %arg8[%dma_start3A_49, %dma_start3A_50] : memref<128x128xf32, #tpu.memory_space<vmem>> -> memref<120x128xf32, #tpu.memory_space<vmem>>
      tpu.enqueue_dma source(%dma_start3A_51 : memref<120x128xf32, #tpu.memory_space<vmem>>) target(%dma_start3A_48 : memref<120x128xf32, #tpu.memory_space<hbm>>) target_semaphore(%run_scoped3A : memref<!tpu.dma_semaphore, #tpu.memory_space<semaphore_mem>>)
      %dma_wait3A = arith.constant 0 : i32
      %dma_wait3A_52 = arith.constant 0 : i32
      %dma_wait3A_53 = tpu.memref_slice %arg8[%dma_wait3A, %dma_wait3A_52] : memref<128x128xf32, #tpu.memory_space<vmem>> -> memref<120x128xf32, #tpu.memory_space<vmem>>
      %dma_wait3A_54 = arith.constant 0 : i32
      %dma_wait3A_55 = tpu.memref_slice %arg5[%add3A_42, %dma_wait3A_54] : memref<20224x128xf32, #tpu.memory_space<hbm>> -> memref<120x128xf32, #tpu.memory_space<hbm>>
      %dma_wait3A_56 = arith.constant 0 : i32
      %dma_wait3A_57 = tpu.memref_slice %arg5[%add3A_42, %dma_wait3A_56] : memref<20224x128xf32, #tpu.memory_space<hbm>> -> memref<120x128xf32, #tpu.memory_space<hbm>>
      %dma_wait3A_58 = arith.constant 0 : i32
      %dma_wait3A_59 = arith.constant 0 : i32
      %dma_wait3A_60 = tpu.memref_slice %arg8[%dma_wait3A_58, %dma_wait3A_59] : memref<128x128xf32, #tpu.memory_space<vmem>> -> memref<120x128xf32, #tpu.memory_space<vmem>>
      tpu.wait_dma2 semaphore(%run_scoped3A : memref<!tpu.dma_semaphore, #tpu.memory_space<semaphore_mem>>) src(%dma_wait3A_60 : memref<120x128xf32, #tpu.memory_space<vmem>>) dst(%dma_wait3A_57 : memref<120x128xf32, #tpu.memory_space<hbm>>)
      tpu.yield
    }) : () -> ()
    return
  }
}

module attributes {stable_mosaic.version = 14 : i64} {
  func.func @body(%arg0: i32, %arg1: memref<400x128xf32, #tpu.memory_space<vmem>>, %arg2: memref<400x128xf32, #tpu.memory_space<vmem>>, %arg3: memref<400x128xf32, #tpu.memory_space<vmem>>, %arg4: memref<400x128xf32, #tpu.memory_space<vmem>>, %arg5: memref<400x128xf32, #tpu.memory_space<vmem>>, %arg6: memref<128x128xf32, #tpu.memory_space<vmem>>, %arg7: memref<128x128xf32, #tpu.memory_space<vmem>>, %arg8: memref<1x128xf32, #tpu.memory_space<vmem>>, %arg9: memref<1x128xf32, #tpu.memory_space<vmem>>, %arg10: memref<400x128xf32, #tpu.memory_space<vmem>>) attributes {dimension_semantics = [#tpu.dimension_semantics<arbitrary>], iteration_bounds = array<i64: 25>, scalar_prefetch = 0 : i64, scratch_operands = 0 : i64, tpu.core_type = #tpu.core_type<tc>, window_params = [{transform_indices = @transform_0, window_bounds = array<i64: 400, 128>}, {transform_indices = @transform_1, window_bounds = array<i64: 400, 128>}, {transform_indices = @transform_2, window_bounds = array<i64: 400, 128>}, {transform_indices = @transform_3, window_bounds = array<i64: 400, 128>}, {transform_indices = @transform_4, window_bounds = array<i64: 400, 128>}, {pipeline_mode = #tpu.pipeline_mode<synchronous>, transform_indices = @transform_5, window_bounds = array<i64: 128, 128>}, {pipeline_mode = #tpu.pipeline_mode<synchronous>, transform_indices = @transform_6, window_bounds = array<i64: 128, 128>}, {pipeline_mode = #tpu.pipeline_mode<synchronous>, transform_indices = @transform_7, window_bounds = array<i64: 1, 128>}, {pipeline_mode = #tpu.pipeline_mode<synchronous>, transform_indices = @transform_8, window_bounds = array<i64: 1, 128>}, {transform_indices = @transform_9, window_bounds = array<i64: 400, 128>}]} {
    %get3A = arith.constant 0 : index
    %get3A_0 = arith.constant 0 : index
    %get3A_1 = vector.load %arg4[%get3A, %get3A_0] : memref<400x128xf32, #tpu.memory_space<vmem>>, vector<400x1xf32>
    %get3A_2 = arith.constant 0 : index
    %get3A_3 = arith.constant 0 : index
    %get3A_4 = vector.load %arg5[%get3A_2, %get3A_3] : memref<400x128xf32, #tpu.memory_space<vmem>>, vector<400x1xf32>
    %add3A = arith.addf %get3A_1, %get3A_4 : vector<400x1xf32>
    %max3A = arith.constant 1.000000e+00 : f32
    %max3A_5 = vector.broadcast %max3A : f32 to vector<400x1xf32>
    %max3A_6 = arith.maximumf %add3A, %max3A_5 : vector<400x1xf32>
    %div3A = arith.constant 1.000000e+00 : f32
    %div3A_7 = vector.broadcast %div3A : f32 to vector<400x1xf32>
    %div3A_8 = arith.divf %div3A_7, %max3A_6 : vector<400x1xf32>
    %get3A_9 = arith.constant 0 : index
    %get3A_10 = arith.constant 0 : index
    %get3A_11 = vector.load %arg2[%get3A_9, %get3A_10] : memref<400x128xf32, #tpu.memory_space<vmem>>, vector<400x128xf32>
    %get3A_12 = arith.constant 0 : index
    %get3A_13 = arith.constant 0 : index
    %get3A_14 = vector.load %arg3[%get3A_12, %get3A_13] : memref<400x128xf32, #tpu.memory_space<vmem>>, vector<400x128xf32>
    %add3A_15 = arith.addf %get3A_11, %get3A_14 : vector<400x128xf32>
    %mul3A = vector.broadcast %div3A_8 : vector<400x1xf32> to vector<400x128xf32>
    %mul3A_16 = arith.mulf %add3A_15, %mul3A : vector<400x128xf32>
    %get3A_17 = arith.constant 0 : index
    %get3A_18 = arith.constant 0 : index
    %get3A_19 = vector.load %arg6[%get3A_17, %get3A_18] : memref<128x128xf32, #tpu.memory_space<vmem>>, vector<128x128xf32>
    %dot_general3A = arith.constant dense<0.000000e+00> : vector<400x128xf32>
    %dot_general3A_20 = tpu.matmul %mul3A_16, %get3A_19, %dot_general3A {dimension_numbers = #tpu.dot_dimension_numbers<[1], [1], [0], [0], [0, 0, 1, 0], [], []>, transpose_lhs_hint = false} : vector<400x128xf32>, vector<128x128xf32>, vector<400x128xf32> -> vector<400x128xf32>
    %get3A_21 = arith.constant 0 : index
    %get3A_22 = arith.constant 0 : index
    %get3A_23 = vector.load %arg1[%get3A_21, %get3A_22] : memref<400x128xf32, #tpu.memory_space<vmem>>, vector<400x128xf32>
    %get3A_24 = arith.constant 0 : index
    %get3A_25 = arith.constant 0 : index
    %get3A_26 = vector.load %arg7[%get3A_24, %get3A_25] : memref<128x128xf32, #tpu.memory_space<vmem>>, vector<128x128xf32>
    %dot_general3A_27 = arith.constant dense<0.000000e+00> : vector<400x128xf32>
    %dot_general3A_28 = tpu.matmul %get3A_23, %get3A_26, %dot_general3A_27 {dimension_numbers = #tpu.dot_dimension_numbers<[1], [1], [0], [0], [0, 0, 1, 0], [], []>, transpose_lhs_hint = false} : vector<400x128xf32>, vector<128x128xf32>, vector<400x128xf32> -> vector<400x128xf32>
    %add3A_29 = arith.addf %dot_general3A_28, %dot_general3A_20 : vector<400x128xf32>
    %get3A_30 = arith.constant 0 : index
    %get3A_31 = arith.constant 0 : index
    %get3A_32 = vector.load %arg8[%get3A_30, %get3A_31] : memref<1x128xf32, #tpu.memory_space<vmem>>, vector<1x128xf32>
    %add3A_33 = vector.broadcast %get3A_32 : vector<1x128xf32> to vector<400x128xf32>
    %add3A_34 = arith.addf %add3A_29, %add3A_33 : vector<400x128xf32>
    %get3A_35 = arith.constant 0 : index
    %get3A_36 = arith.constant 0 : index
    %get3A_37 = vector.load %arg9[%get3A_35, %get3A_36] : memref<1x128xf32, #tpu.memory_space<vmem>>, vector<1x128xf32>
    %add3A_38 = vector.broadcast %get3A_37 : vector<1x128xf32> to vector<400x128xf32>
    %add3A_39 = arith.addf %add3A_34, %add3A_38 : vector<400x128xf32>
    %swap3A = arith.constant 0 : index
    %swap3A_40 = arith.constant 0 : index
    %swap3A_41 = vector.load %arg10[%swap3A, %swap3A_40] : memref<400x128xf32, #tpu.memory_space<vmem>>, vector<400x128xf32>
    tpu.vector_store %arg10[%swap3A, %swap3A_40], %add3A_39 {strides = array<i32>} : memref<400x128xf32, #tpu.memory_space<vmem>>, vector<400x128xf32>,
    return
  }
  func.func @transform_0(%arg0: i32) -> (i32, i32) {
    %c0_i32 = arith.constant 0 : i32
    %c0_i32_0 = arith.constant 0 : i32
    return %arg0, %c0_i32 : i32, i32
  }
  func.func @transform_1(%arg0: i32) -> (i32, i32) {
    %c0_i32 = arith.constant 0 : i32
    %c0_i32_0 = arith.constant 0 : i32
    return %arg0, %c0_i32 : i32, i32
  }
  func.func @transform_2(%arg0: i32) -> (i32, i32) {
    %c0_i32 = arith.constant 0 : i32
    %c0_i32_0 = arith.constant 0 : i32
    return %arg0, %c0_i32 : i32, i32
  }
  func.func @transform_3(%arg0: i32) -> (i32, i32) {
    %c0_i32 = arith.constant 0 : i32
    %c0_i32_0 = arith.constant 0 : i32
    return %arg0, %c0_i32 : i32, i32
  }
  func.func @transform_4(%arg0: i32) -> (i32, i32) {
    %c0_i32 = arith.constant 0 : i32
    %c0_i32_0 = arith.constant 0 : i32
    return %arg0, %c0_i32 : i32, i32
  }
  func.func @transform_5(%arg0: i32) -> (i32, i32) {
    %c0_i32 = arith.constant 0 : i32
    %c0_i32_0 = arith.constant 0 : i32
    %c0_i32_1 = arith.constant 0 : i32
    return %c0_i32, %c0_i32_0 : i32, i32
  }
  func.func @transform_6(%arg0: i32) -> (i32, i32) {
    %c0_i32 = arith.constant 0 : i32
    %c0_i32_0 = arith.constant 0 : i32
    %c0_i32_1 = arith.constant 0 : i32
    return %c0_i32, %c0_i32_0 : i32, i32
  }
  func.func @transform_7(%arg0: i32) -> (i32, i32) {
    %c0_i32 = arith.constant 0 : i32
    %c0_i32_0 = arith.constant 0 : i32
    %c0_i32_1 = arith.constant 0 : i32
    return %c0_i32, %c0_i32_0 : i32, i32
  }
  func.func @transform_8(%arg0: i32) -> (i32, i32) {
    %c0_i32 = arith.constant 0 : i32
    %c0_i32_0 = arith.constant 0 : i32
    %c0_i32_1 = arith.constant 0 : i32
    return %c0_i32, %c0_i32_0 : i32, i32
  }
  func.func @transform_9(%arg0: i32) -> (i32, i32) {
    %c0_i32 = arith.constant 0 : i32
    %c0_i32_0 = arith.constant 0 : i32
    return %arg0, %c0_i32 : i32, i32
  }
}

</mosaic_0001>

<sc_bundles>
// kernel: kernel.5.cloned.1.call-start
scs
__scs_entry_jumppad:
0x0: {  	(pc) =	sbr.rel $0x88, $3  }
0x1: {  	(tag) =	ssettag $0x0;
	lr =	simm.s32 $0x1  }
0x2: {  	[smem:$0x3F9B] =	sst lr;
	_ =	strace $0xD0000000  }
0x3: {  	_ = 	snop  }
0x4: {  	_ = 	snop  }
0x5: {  	_ = 	snop  }
0x6: {  	_ = 	snop  }
0x7: {  	_ = 	snop  }
__scs_overlays_trampoline_lowered:
0x8: {  	[smem:$0x3FAA] =	sst s0  }
0x9: {  	[smem:$0x3FAB] =	sst s1  }
0xa: {  	[smem:$0x3FAC] =	sst s2  }
0xb: {  	[smem:$0x3FAD] =	sst s3  }
0xc: {  	[smem:$0x3FAE] =	sst s4  }
0xd: {  	[smem:$0x3FAF] =	sst s5  }
0xe: {  	[smem:$0x3FB0] =	sst s6  }
0xf: {  	[smem:$0x3FB1] =	sst s7  }
0x10: {  	[smem:$0x3FB2] =	sst s8  }
0x11: {  	[smem:$0x3FB3] =	sst s9;
	s0 =	simm.s32 @!p0 $0x0  }
0x12: {  	s1 =	sld [smem:$0x3F99];
	s0 =	simm.s32 @p0 $0x1  }
0x13: {  	[smem:$0x3FB4] =	sst s0;
	s0 =	simm.s32 @!p1 $0x0  }
0x14: {  	s2 =	sld [smem:$0x3F98];
	s0 =	simm.s32 @p1 $0x1  }
0x15: {  	[smem:$0x3FB5] =	sst s0;
	s0 =	simm.s32 @!p2 $0x0  }
0x16: {  	s3 =	sld [smem:$0x3FDB];
	s0 =	simm.s32 @p2 $0x1  }
0x17: {  	s4 =	simm.s32 $0x1BF5;
	[smem:$0x3FB7] =	sst s0  }
0x18: {  	s0 =	sld [smem:$0x3F9A];
	_ =	swait.ge [sflag:s4], $0x0  }
0x19: {  	s7 =	sld [smem:$0x3F9B]  }
0x1a: {  	s8 =	sadd.s32 $0xFFFFE003, lr  }
0x1b: {  	s9 =	sadd.s32 $0xFFFFFEF7, lr;
	s5 =	simm.s32 $0xFFFFFFFF;
	p2 =	slt.u32 s8, $0xFFFFF086  }
0x1c: {  	p1 =	slt.u32 s9, $0xF7A;
	s5 =	simm.s32 @!p2 $0x0  }
0x1d: {  	s5 =	simm.s32 @p1 $0x1;
	p0 =	seq.s32 s7, s2  }
0x1e: {  	s7 =	smul.u32 @!p0 $0xF7A, s2;
	p2 =	seq.s32 @!p0 s5, $0x0  }
0x1f: {  	s9 =	smul.u32 $0xF7A, s1;
	s8 =	simm.s32 @!p0 $0x1BF5;
	p2 =	por !p2, p0  }
0x20: {  	[sflag:s8] =	ssyncset.s32 @!p0 $0xFFFFF086;
	s6 =	sadd.s32 @!p0 s3, s7;
	s7 =	simm.s32 @!p0 $0x108  }
0x21: {  	s3 =	sadd.s32 s3, s9;
	s6 =	sadd.s32 @!p0 $0x88, s6;
	s7 =	simm.s32 @p2 $0x1082  }
0x22: {  	[simem:s7], [sflag:s8] =	dma.local @!p0 [hbm:s6], $0xF7A  }
0x23: {  	s9 =	sor.u32 $0xD0000000, s2;
	s6 =	simm.s32 $0x108;
	_ =	swait.ge @!p0 [sflag:s8], $0x0  }
0x24: {  	s3 =	sadd.s32 $0x88, s3;
	s6 =	simm.s32 @!p1 $0x1082;
	[sflag:s4] =	ssyncset.s32 $0xFFFFF086  }
0x25: {  	[simem:s6], [sflag:s4] =	dma.local [hbm:s3], $0xF7A  }
0x26: {  	[smem:$0x3F9B] =	sst s1;
	(tag) =	ssettag s2;
	_ =	strace s9  }
0x27: {  	s1 =	sld [smem:$0x3FAB]  }
0x28: {  	s2 =	sld [smem:$0x3FAC]  }
0x29: {  	s4 =	sld [smem:$0x3FAE]  }
0x2a: {  	p0 =	seq.s32 s5, $0x0;
	s5 =	sld [smem:$0x3FAF]  }
0x2b: {  	s6 =	sld [smem:$0x3FB0]  }
0x2c: {  	s7 =	sld [smem:$0x3FB1]  }
0x2d: {  	s3 =	simm.s32 $0x108;
	s8 =	sld [smem:$0x3FB2]  }
0x2e: {  	s3 =	simm.s32 @!p0 $0x1082;
	s9 =	sld [smem:$0x3FB3]  }
0x2f: {  	lr =	sadd.s32 s0, s3;
	s0 =	sld [smem:$0x3FAA]  }
0x30: {  	s3 =	sld [smem:$0x3FAD]  }
0x31: {  	[smem:$0x3FB6] =	sst s10  }
0x32: {  	s10 =	sld [smem:$0x3FB4];
	_ =	sdelay $0x3  }
0x33: {  	p0 =	seq.s32 s10, $0x1;
	s10 =	sld [smem:$0x3FB6];
	_ =	sdelay $0x3  }
0x34: {  	[smem:$0x3FB6] =	sst s10  }
0x35: {  	s10 =	sld [smem:$0x3FB5];
	_ =	sdelay $0x3  }
0x36: {  	p1 =	seq.s32 s10, $0x1;
	s10 =	sld [smem:$0x3FB6];
	_ =	sdelay $0x3  }
0x37: {  	[smem:$0x3FB6] =	sst s10  }
0x38: {  	s10 =	sld [smem:$0x3FB7]  }
0x39: {  	_ = 	snop;
	(pc) =	sbr.ind lr, $3  }
0x3a: {  	_ = 	snop  }
0x3b: {  	_ = 	snop  }
0x3c: {  	p2 =	seq.s32 s10, $0x1;
	s10 =	sld [smem:$0x3FB6]  }
0x3d: {  	_ =	shalt  }
0x3e: {  	_ =	shalt  }
0x3f: {  	_ =	shalt  }
0x40: {  	_ =	shalt  }
0x41: {  	_ =	shalt  }
0x42: {  	_ =	shalt  }
0x43: {  	_ =	shalt  }
0x44: {  	_ =	shalt  }
0x45: {  	_ =	shalt  }
0x46: {  	_ =	shalt  }
0x47: {  	_ =	shalt  }
0x48: {  	_ =	shalt  }
0x49: {  	_ =	shalt  }
0x4a: {  	_ =	shalt  }
0x4b: {  	_ =	shalt  }
0x4c: {  	_ =	shalt  }
0x4d: {  	_ =	shalt  }
0x4e: {  	_ =	shalt  }
0x4f: {  	_ =	shalt  }
0x50: {  	_ =	shalt  }
0x51: {  	_ =	shalt  }
0x52: {  	_ =	shalt  }
0x53: {  	_ =	shalt  }
0x54: {  	_ =	shalt  }
0x55: {  	_ =	shalt  }
0x56: {  	_ =	shalt  }
0x57: {  	_ =	shalt  }
0x58: {  	_ =	shalt  }
0x59: {  	_ =	shalt  }
0x5a: {  	_ =	shalt  }
0x5b: {  	_ =	shalt  }
0x5c: {  	_ =	shalt  }
0x5d: {  	_ =	shalt  }
0x5e: {  	_ =	shalt  }
0x5f: {  	_ =	shalt  }
0x60: {  	_ =	shalt  }
0x61: {  	_ =	shalt  }
0x62: {  	_ =	shalt  }
0x63: {  	_ =	shalt  }
0x64: {  	_ =	shalt  }
0x65: {  	_ =	shalt  }
0x66: {  	_ =	shalt  }
0x67: {  	_ =	shalt  }
0x68: {  	_ =	shalt  }
0x69: {  	_ =	shalt  }
0x6a: {  	_ =	shalt  }
0x6b: {  	_ =	shalt  }
0x6c: {  	_ =	shalt  }
0x6d: {  	_ =	shalt  }
0x6e: {  	_ =	shalt  }
0x6f: {  	_ =	shalt  }
0x70: {  	_ =	shalt  }
0x71: {  	_ =	shalt  }
0x72: {  	_ =	shalt  }
0x73: {  	_ =	shalt  }
0x74: {  	_ =	shalt  }
0x75: {  	_ =	shalt  }
0x76: {  	_ =	shalt  }
0x77: {  	_ =	shalt  }
0x78: {  	_ =	shalt  }
0x79: {  	_ =	shalt  }
0x7a: {  	_ =	shalt  }
0x7b: {  	_ =	shalt  }
0x7c: {  	_ =	shalt  }
0x7d: {  	_ =	shalt  }
0x7e: {  	_ =	shalt  }
0x7f: {  	_ =	shalt  }
0x80: {  	_ =	shalt  }
0x81: {  	_ =	shalt  }
0x82: {  	_ =	shalt  }
0x83: {  	_ =	shalt  }
0x84: {  	_ =	shalt  }
0x85: {  	_ =	shalt  }
0x86: {  	_ =	shalt  }
0x87: {  	_ =	shalt  }
.Lfunc_end0:
.L_simem_size_0:
called_computation_lowered:
.L_overlay_start_0:
0x88: {  	s2 =	sld [smem:$0x3FD9]  }
0x89: {  	s3 =	sld [smem:$0x3FFE];
	_ =	sdelay $0x1  }
0x8a: {  	s1 =	srdreg.scid  }
0x8b: {  	s0 =	sand.u32 $0x1, s1  }
0x8c: {  	s17 =	sshll.u32 s0, $0xA;
	s2 =	sadd.s32 s3, s2  }
0x8d: {  	s2 =	sadd.s32 s2, s17  }
0x8e: {  	[smem:$0x3FC2] =	sst s2  }
0x8f: {  	_ = 	snop  }
0x90: {  	s2 =	sld [smem:$0x3FC9]  }
0x91: {  	s18 =	sld [smem:$0x3FD0];
	(tm) =	ssettm $0x1  }
0x92: {  	s4 =	sld [smem:$0x3FFB];
	_ =	sdelay $0x3  }
0x93: {  	_ =	strace s4  }
0x94: {  	s4 =	sld [smem:$0x3FFC];
	_ =	sdelay $0x3  }
0x95: {  	_ =	strace s4  }
0x96: {  	s4 =	sld [smem:$0x3FFD];
	_ =	sdelay $0x3  }
0x97: {  	_ =	strace s4  }
0x98: {  	_ =	strace $0x8FFFFFFF  }
0x99: {  	s19 =	sld [smem:$0x3FDB];
	_ =	sdelay $0x1  }
0x9a: {  	s5 =	simm.s32 $_scs_section_size  }
0x9b: {  	s6 =	simm.s32 $_size__tile_overlayer_lowered;
	s7 =	simm.s32 $_tile_overlayer_lowered  }
0x9c: {  	s22 =	simm.s32 $0x1BFF;
	s21 =	sshll.u32 s7, $0x1;
	s4 =	sadd.s32 s5, s19  }
0x9d: {  	s8 =	simm.s32 $0x0;
	s20 =	sshll.u32 s6, $0x1;
	s6 =	sadd.s32 s21, s4  }
0x9e: {  	[timem:s8], [sflag:s22] =	dma.local [hbm:s6], s20  }
0x9f: {  	_ =	swait.ge [sflag:s22], s20  }
0xa0: {  	s5 =	ssub.s32 $0x0, s20;
	[sflag:s22] =	ssyncset.done $0x0  }
0xa1: {  	[sflag:s22] =	ssyncadd.s32 s5;
	_ =	sdelay $0x1  }
0xa2: {  	s23 =	simm.s32 $0x1B8B  }
0xa3: {  	_ =	swait.ge [sflag:s23], $0x1  }
0xa4: {  	[sflag:s23] =	ssyncset.done $0x0  }
0xa5: {  	s25 =	simm.s32 $0x1B8E;
	s24 =	sld [smem:$0x3FFE];
	[sflag:s23] =	ssyncadd.s32 $0xFFFFFFFF  }
0xa6: {  	s26 =	simm.s32 $execute0_lowered;
	[smem:$0x3FD2] =	sst s25  }
0xa7: {  	s6 =	sshll.u32 s26, $0x1;
	_ =	strace $0x80000046;
	[dreg:$0x1] =	wrdreg $0xFFFFFFFF  }
0xa8: {  	s28 =	simm.s32 $_size_execute0_lowered;
	s4 =	sadd.s32 s4, s6;
	[dreg:$0x0] =	wrdreg $0x0  }
0xa9: {  	s6 =	sshll.u32 s28, $0x1;
	[dreg:$0x2] =	wrdreg s4  }
0xaa: {  	[dreg:$0x3] =	wrdreg s6  }
0xab: {  	[dreg:$0x4] =	wrdreg $0xC0  }
0xac: {  	_ =	task [dreg:s8], $0x5FFFF  }
0xad: {  	[dreg:$0x1] =	wrdreg $0xFFFFFFFF  }
0xae: {  	[dreg:$0x0] =	wrdreg $0x60  }
0xaf: {  	[dreg:$0x2] =	wrdreg s2  }
0xb0: {  	[dreg:$0x3] =	wrdreg s24  }
0xb1: {  	[dreg:$0x4] =	wrdreg s18  }
0xb2: {  	[dreg:$0x5] =	wrdreg $0x0  }
0xb3: {  	[dreg:$0x6] =	wrdreg $0x9  }
0xb4: {  	_ =	task.clear_ibuf [dreg:s8], $0x7FFFF;
	_ =	strace $0x90000046  }
0xb5: {  	s29 =	simm.s32 $0x9;
	_ =	strace $0x80000048  }
0xb6: {  	_ =	swait.ge [sflag:s29], $0x1  }
0xb7: {  	[sflag:s29] =	ssyncadd.s32 $0xFFFFFFFF  }
0xb8: {  	_ =	strace $0x90000048  }
0xb9: {  	_ =	sfence  }
0xba: {  	s30 =	sld [smem:$0x0];
	_ =	sdelay $0x2  }
0xbb: {  	s31 =	sshll.u32 s1, $0xD;
	s1 =	sshrl.u32 s1, $0x2  }
0xbc: {  	s3 =	sand.u32 $0x4000, s31;
	s1 =	sadd.s32 s1, s30  }
0xbd: {  	s0 =	sor.u32 s3, s0;
	s1 =	sshll.u32 s1, $0x11  }
0xbe: {  	s0 =	sor.u32 s1, s0  }
0xbf: {  	s0 =	sadd.s32 $0x8F2B, s0  }
0xc0: {  	[sflag:s0] =	ssyncadd.remote.s32 $0x1  }
0xc1: {  	_ =	sfence.sel $0xFFFF  }
0xc2: {  	[dreg:$0x0] =	wrdreg $0xFFFFFFFF;
	(pc) =	sbr.abs _section_cstart, $3  }
0xc3: {  	[dreg:$0x1] =	wrdreg $0xFFFFFFFF  }
0xc4: {  	_ =	task.clear_ibuf [dreg:s8], $0x2FFFF;
	_ =	strace $0x9FFFFFFF  }
0xc5: {  	(tm) =	ssettm $0x7FFFFFFF  }
tec
execute0_lowered:
.L_overlay_start_1:
0x0: {  	(tag) =	ssettag $0x1  }
0x1: {  	s1 =	rddreg [dreg:$0x0]  }
0x2: {  	s0 =	rddreg [dreg:$0x1]  }
0x3: {  	s16 =	rddreg [dreg:$0x2]  }
0x4: {  	s2 =	srdreg.scid;
	s11 =	stileid.u32  }
0x5: {  	s4 =	rddreg [dreg:$0x3];
	s5 =	simm.s32 $0x0;
	s9 =	simm.s32 $0x4400  }
0x6: {  	s28 =	simm.s32 $0x13C80;
	s29 =	simm.s32 $0x80;
	s30 =	simm.s32 $0x13D00  }
0x7: {  	s31 =	simm.s32 $0x13D80;
	s2 =	sand.u32 $0x1, s2;
	s3 =	smul.u32 $0x278, s11  }
0x8: {  	[smem:$0x7FF] =	sst s5;
	s15 =	sadd.s32 $0x1200, s0;
	s14 =	smul.u32 $0x4F000, s11  }
0x9: {  	s13 =	sadd.s32 $0xB400, s0;
	s6 =	smul.u32 $0x2780, s2;
	_ =	strace $0x80000047  }
0xa: {  	[dreg:$0x5] =	wrdreg s13;
	s7 =	ssub.s32 $0x2, s2;
	p0 =	seq.s32 s2, $0x0  }
0xb: {  	s2 =	smul.u32 $0x44000, s2;
	s13 =	simm.s32 $0x44;
	s9 =	simm.s32 @!p0 $0xC00  }
0xc: {  	s10 =	sshrl.u32 s7, $0x1;
	s13 =	simm.s32 @!p0 $0xC;
	s3 =	sadd.s32 s3, s6  }
0xd: {  	s6 =	sshrl.u32 s14, $0x2;
	s17 =	smul.u32 s11, s9;
	s18 =	ssub.s32 s7, s10  }
0xe: {  	s7 =	simm.s32 $0x2;
	s3 =	sshll.u32 s3, $0x4;
	s8 =	sadd.s32 s6, s4  }
0xf: {  	s14 =	simm.s32 $0x0;
	s0 =	sadd.s32 s3, s0;
	s9 =	sadd.s32 $0x4000, s8  }
0x10: {  	s10 =	sadd.s32 $0x8000, s8;
	s11 =	sadd.s32 $0xC000, s8;
	s2 =	sadd.s32 s2, s17  }
0x11: {  	s12 =	sadd.s32 $0x10000, s8;
	s6 =	sshrl.u32 s2, $0x3;
	s22 =	sadd.s32 $0xBC00, s0  }
0x12: {  	s23 =	sadd.s32 $0xC400, s0;
	s24 =	sadd.s32 $0xCC00, s0;
	s19 =	sadd.s32 $0xD400, s0  }
0x13: {  	s20 =	sadd.s32 $0xDC00, s0;
	s25 =	sor.u32 $0x100, s2;
	s26 =	sor.u32 $0x80, s2  }
0x14: {  	s2 =	simm.s32 $0x17E00;
	s0 =	simm.s32 $0x1;
	[dreg:$0x8] =	wrdreg s22  }
0x15: {  	s21 =	sadd.s32 s15, s6;
	s6 =	sadd.s32 s16, s6;
	[dreg:$0x9] =	wrdreg s23  }
0x16: {  	[dreg:$0xa] =	wrdreg s24;
	s22 =	sshrl.u32 s25, $0x3;
	s23 =	sshrl.u32 s26, $0x3  }
0x17: {  	s24 =	simm.s32 $0x13E00;
	s25 =	simm.s32 $0x3;
	[dreg:$0x6] =	wrdreg s21  }
0x18: {  	s26 =	simm.s32 $0x13C00;
	[dreg:$0x7] =	wrdreg s6;
	s21 =	smax.u32 s18, $0x1  }
.LBB2_1:
0x19: {  	s3 =	rddreg [dreg:$0x5]  }
0x1a: {  	[tilespmem:s24], [sflag:$0x3] =	stream.linear.gather [hbm4b:s3+s5], $0x4000, $0x38;
	[tilespmem:$0x1BE00] =	vst v63  }
0x1b: {  	_ =	swait.ge [sflag:s25], $0x4000  }
0x1c: {  	[sflag:s25] =	ssyncset.done $0x0  }
0x1d: {  	[sflag:s25] =	ssyncadd.s32 $0xFFFFC000  }
0x1e: {  	[spmem:s8] =	stream.linear.scatter [tilespmem:s24], [sflag:$0x3], $0x4000, $0x38;
	[tilespmem:$0x1BE00] =	vst v63  }
0x1f: {  	_ =	swait.ge [sflag:s25], $0x4000  }
0x20: {  	[sflag:s25] =	ssyncset.done $0x0  }
0x21: {  	[sflag:s25] =	ssyncadd.s32 $0xFFFFC000  }
0x22: {  	[spmem:s9] =	stream.linear.scatter [tilespmem:s24], [sflag:$0x3], $0x4000, $0x38;
	[tilespmem:$0x1BE00] =	vst v63  }
0x23: {  	_ =	swait.ge [sflag:s25], $0x4000  }
0x24: {  	[sflag:s25] =	ssyncset.done $0x0  }
0x25: {  	[sflag:s25] =	ssyncadd.s32 $0xFFFFC000  }
0x26: {  	[spmem:s10] =	stream.linear.scatter [tilespmem:s24], [sflag:$0x3], $0x4000, $0x38;
	[tilespmem:$0x1BE00] =	vst v63  }
0x27: {  	_ =	swait.ge [sflag:s25], $0x4000  }
0x28: {  	[sflag:s25] =	ssyncset.done $0x0  }
0x29: {  	[sflag:s25] =	ssyncadd.s32 $0xFFFFC000  }
0x2a: {  	[spmem:s11] =	stream.linear.scatter [tilespmem:s24], [sflag:$0x3], $0x4000, $0x38;
	[tilespmem:$0x1BE00] =	vst v63  }
0x2b: {  	_ =	swait.ge [sflag:s25], $0x4000  }
0x2c: {  	[sflag:s25] =	ssyncset.done $0x0  }
0x2d: {  	[sflag:s25] =	ssyncadd.s32 $0xFFFFC000  }
0x2e: {  	[spmem:s12] =	stream.linear.scatter [tilespmem:s24], [sflag:$0x3], $0x3C00, $0x38;
	[tilespmem:$0x1BE00] =	vst v63  }
0x2f: {  	_ =	swait.ge [sflag:s25], $0x3C00  }
0x30: {  	[sflag:s25] =	ssyncset.done $0x0  }
0x31: {  	[sflag:s25] =	ssyncadd.s32 $0xFFFFC400  }
0x32: {  	[bflag:$0x0] =	sbarrier.arrive $0xFFFF  }
0x33: {  	s17 =	rddreg [dreg:$0x6]  }
0x34: {  	[tilespmem:s26], [sflag:$0x3] =	stream.linear.gather [hbm4b:s17+s5], $0x80, $0x38;
	[tilespmem:$0x1BE00] =	vst v63  }
0x35: {  	_ =	swait.ge [sflag:s25], $0x80  }
0x36: {  	[sflag:s25] =	ssyncset.done $0x0  }
0x37: {  	p1 =	sne.s32 s13, $0x1;
	s18 =	rddreg [dreg:$0x7];
	[sflag:s25] =	ssyncadd.s32 $0xFFFFFF80  }
0x38: {  	[tilespmem:s28], [sflag:$0x3] =	stream.linear.gather [hbm4b:s18+s5], $0x80, $0x38;
	[tilespmem:$0x1BE00] =	vst v63  }
.Ltmp0:
0x39: {  	_ = 	snop;
	(pc) =	sbr.rel @!p1 .LBB2_5-.Ltmp0, $4  }
0x3a: {  	_ =	swait.ge [sflag:s25], $0x80  }
0x3b: {  	p0 =	por $0x0, $0x0;
	s6 =	smov.u32 s15;
	[sflag:s25] =	ssyncset.done $0x0  }
0x3c: {  	s3 =	smov.u32 s16;
	s17 =	sadd.s32 $0xFFFFFFFF, s13;
	[sflag:s25] =	ssyncadd.s32 $0xFFFFFF80  }
0x3d: {  	[tilespmem:s24], [sflag:$0x1] =	stream.indirect.gather [hbm4b:s1+s29], $0x80, s26, s29, $0xb8;
	[tilespmem:$0x1BE00] =	vst v63  }
0x3e: {  	s3 =	sadd.s32 s15, s23  }
0x3f: {  	[tilespmem:s30], [sflag:$0x3] =	stream.linear.gather [hbm4b:s3+s5], $0x80, $0x38;
	[tilespmem:$0x1BE00] =	vst v63  }
0x40: {  	_ =	swait.ge [sflag:s25], $0x80  }
0x41: {  	[sflag:s25] =	ssyncset.done $0x0  }
0x42: {  	s18 =	sadd.s32 s16, s23;
	[sflag:s25] =	ssyncadd.s32 $0xFFFFFF80  }
0x43: {  	[tilespmem:s31], [sflag:$0x3] =	stream.linear.gather [hbm4b:s18+s5], $0x80, $0x38;
	[tilespmem:$0x1BE00] =	vst v63  }
0x44: {  	_ =	swait.ge [sflag:s25], $0x80  }
0x45: {  	[sflag:s25] =	ssyncset.done $0x0  }
0x46: {  	[sflag:s25] =	ssyncadd.s32 $0xFFFFFF80  }
0x47: {  	[tilespmem:s2], [sflag:$0x2] =	stream.indirect.gather [hbm4b:s1+s29], $0x80, s30, s29, $0xb8;
	[tilespmem:$0x1BE00] =	vst v63  }
0x48: {  	_ =	swait.ge [sflag:s0], $0x4000  }
0x49: {  	[sflag:s0] =	ssyncset.done $0x0  }
0x4a: {  	[sflag:s0] =	ssyncadd.s32 $0xFFFFC000  }
0x4b: {  	[spmem:s4] =	stream.indirect.scatter.add.f32 [tilespmem:s24], [sflag:$0x3], $0x80, s28, s29, $0xb8;
	[tilespmem:$0x1BE00] =	vst v63  }
0x4c: {  	_ =	swait.ge [sflag:s25], $0x4000  }
0x4d: {  	[sflag:s25] =	ssyncset.done $0x0  }
0x4e: {  	s6 =	sadd.s32 s15, s22;
	[sflag:s25] =	ssyncadd.s32 $0xFFFFC000  }
0x4f: {  	[tilespmem:s26], [sflag:$0x3] =	stream.linear.gather [hbm4b:s6+s5], $0x80, $0x38;
	[tilespmem:$0x1BE00] =	vst v63  }
0x50: {  	_ =	swait.ge [sflag:s25], $0x80  }
0x51: {  	[sflag:s25] =	ssyncset.done $0x0  }
0x52: {  	s18 =	sadd.s32 s16, s22;
	[sflag:s25] =	ssyncadd.s32 $0xFFFFFF80  }
0x53: {  	[tilespmem:s28], [sflag:$0x3] =	stream.linear.gather [hbm4b:s18+s5], $0x80, $0x38;
	[tilespmem:$0x1BE00] =	vst v63  }
0x54: {  	_ =	swait.ge [sflag:s25], $0x80  }
0x55: {  	[sflag:s25] =	ssyncset.done $0x0  }
0x56: {  	[sflag:s25] =	ssyncadd.s32 $0xFFFFFF80  }
0x57: {  	[tilespmem:s24], [sflag:$0x1] =	stream.indirect.gather [hbm4b:s1+s29], $0x80, s26, s29, $0xb8;
	[tilespmem:$0x1BE00] =	vst v63  }
0x58: {  	p1 =	sne.s32 s17, $0x1;
	_ =	swait.ge [sflag:s7], $0x4000  }
.Ltmp1:
0x59: {  	[sflag:s7] =	ssyncset.done $0x0;
	(pc) =	sbr.rel @!p1 .LBB2_3-.Ltmp1, $4  }
0x5a: {  	[sflag:s7] =	ssyncadd.s32 $0xFFFFC000  }
0x5b: {  	[spmem:s4] =	stream.indirect.scatter.add.f32 [tilespmem:s2], [sflag:$0x3], $0x80, s31, s29, $0xb8;
	[tilespmem:$0x1BE00] =	vst v63  }
0x5c: {  	s17 =	sadd.s32 $0xFFFFFFFF, s17;
	p0 =	por $0x1, $0x1;
	_ =	swait.ge [sflag:s25], $0x4000  }
0x5d: {  	s3 =	smov.u32 s16;
	s6 =	sadd.s32 $0x20, s15;
	[sflag:s25] =	ssyncset.done $0x0  }
.LBB2_4:
0x5e: {  	s18 =	sadd.s32 s6, s23;
	[sflag:s25] =	ssyncadd.s32 $0xFFFFC000;
	s3 =	sadd.s32 $0x20, s3  }
0x5f: {  	[tilespmem:s30], [sflag:$0x3] =	stream.linear.gather [hbm4b:s18+s5], $0x80, $0x38;
	[tilespmem:$0x1BE00] =	vst v63  }
0x60: {  	p1 =	sne.s32 s17, $0x1;
	s17 =	sadd.s32 $0xFFFFFFFF, s17;
	_ =	swait.ge [sflag:s25], $0x80  }
0x61: {  	[sflag:s25] =	ssyncset.done $0x0  }
0x62: {  	s18 =	sadd.s32 s3, s23;
	[sflag:s25] =	ssyncadd.s32 $0xFFFFFF80  }
0x63: {  	[tilespmem:s31], [sflag:$0x3] =	stream.linear.gather [hbm4b:s18+s5], $0x80, $0x38;
	[tilespmem:$0x1BE00] =	vst v63  }
0x64: {  	_ =	swait.ge [sflag:s25], $0x80  }
0x65: {  	[sflag:s25] =	ssyncset.done $0x0  }
0x66: {  	[sflag:s25] =	ssyncadd.s32 $0xFFFFFF80  }
0x67: {  	[tilespmem:s2], [sflag:$0x2] =	stream.indirect.gather [hbm4b:s1+s29], $0x80, s30, s29, $0xb8;
	[tilespmem:$0x1BE00] =	vst v63  }
0x68: {  	_ =	swait.ge [sflag:s0], $0x4000  }
0x69: {  	[sflag:s0] =	ssyncset.done $0x0  }
0x6a: {  	[sflag:s0] =	ssyncadd.s32 $0xFFFFC000  }
0x6b: {  	[spmem:s4] =	stream.indirect.scatter.add.f32 [tilespmem:s24], [sflag:$0x3], $0x80, s28, s29, $0xb8;
	[tilespmem:$0x1BE00] =	vst v63  }
0x6c: {  	_ =	swait.ge [sflag:s25], $0x4000  }
0x6d: {  	[sflag:s25] =	ssyncset.done $0x0  }
0x6e: {  	s18 =	sadd.s32 s6, s22;
	[sflag:s25] =	ssyncadd.s32 $0xFFFFC000  }
0x6f: {  	[tilespmem:s26], [sflag:$0x3] =	stream.linear.gather [hbm4b:s18+s5], $0x80, $0x38;
	[tilespmem:$0x1BE00] =	vst v63  }
0x70: {  	_ =	swait.ge [sflag:s25], $0x80  }
0x71: {  	[sflag:s25] =	ssyncset.done $0x0  }
0x72: {  	s18 =	sadd.s32 s3, s22;
	[sflag:s25] =	ssyncadd.s32 $0xFFFFFF80  }
0x73: {  	[tilespmem:s28], [sflag:$0x3] =	stream.linear.gather [hbm4b:s18+s5], $0x80, $0x38;
	[tilespmem:$0x1BE00] =	vst v63  }
0x74: {  	_ =	swait.ge [sflag:s25], $0x80  }
0x75: {  	[sflag:s25] =	ssyncset.done $0x0  }
0x76: {  	[sflag:s25] =	ssyncadd.s32 $0xFFFFFF80  }
0x77: {  	[tilespmem:s24], [sflag:$0x1] =	stream.indirect.gather [hbm4b:s1+s29], $0x80, s26, s29, $0xb8;
	[tilespmem:$0x1BE00] =	vst v63  }
0x78: {  	_ =	swait.ge [sflag:s7], $0x4000  }
.Ltmp2:
0x79: {  	[sflag:s7] =	ssyncset.done $0x0;
	(pc) =	sbr.rel @p1 .LBB2_4-.Ltmp2, $4  }
0x7a: {  	[sflag:s7] =	ssyncadd.s32 $0xFFFFC000  }
0x7b: {  	[spmem:s4] =	stream.indirect.scatter.add.f32 [tilespmem:s2], [sflag:$0x3], $0x80, s31, s29, $0xb8;
	[tilespmem:$0x1BE00] =	vst v63  }
0x7c: {  	_ =	swait.ge [sflag:s25], $0x4000  }
0x7d: {  	s6 =	sadd.s32 $0x20, s6;
	[sflag:s25] =	ssyncset.done $0x0  }
.LBB2_5:
0x7e: {  	s17 =	sadd.s32 s6, s23;
	[sflag:s25] =	ssyncadd.s32 @p0 $0xFFFFC000  }
0x7f: {  	[tilespmem:s30], [sflag:$0x3] =	stream.linear.gather [hbm4b:s17+s5], $0x80, $0x38;
	[tilespmem:$0x1BE00] =	vst v63  }
0x80: {  	s3 =	sadd.s32 @p0 $0x20, s3;
	s17 =	smov.u32 s16;
	_ =	swait.ge [sflag:s25], $0x80  }
0x81: {  	s17 =	smov.u32 @p0 s3;
	[sflag:s25] =	ssyncset.done $0x0  }
0x82: {  	s3 =	sadd.s32 s17, s23;
	[sflag:s25] =	ssyncadd.s32 $0xFFFFFF80  }
0x83: {  	[tilespmem:s31], [sflag:$0x3] =	stream.linear.gather [hbm4b:s3+s5], $0x80, $0x38;
	[tilespmem:$0x1BE00] =	vst v63  }
0x84: {  	_ =	swait.ge [sflag:s25], $0x80  }
0x85: {  	[sflag:s25] =	ssyncset.done $0x0  }
0x86: {  	[sflag:s25] =	ssyncadd.s32 $0xFFFFFF80  }
0x87: {  	[tilespmem:s2], [sflag:$0x2] =	stream.indirect.gather [hbm4b:s1+s29], $0x80, s30, s29, $0xb8;
	[tilespmem:$0x1BE00] =	vst v63  }
0x88: {  	_ =	swait.ge [sflag:s0], $0x4000  }
0x89: {  	[sflag:s0] =	ssyncset.done $0x0  }
0x8a: {  	[sflag:s0] =	ssyncadd.s32 $0xFFFFC000  }
0x8b: {  	[spmem:s4] =	stream.indirect.scatter.add.f32 [tilespmem:s24], [sflag:$0x3], $0x80, s28, s29, $0xb8;
	[tilespmem:$0x1BE00] =	vst v63  }
0x8c: {  	_ =	swait.ge [sflag:s25], $0x4000  }
0x8d: {  	[sflag:s25] =	ssyncset.done $0x0  }
0x8e: {  	s6 =	sadd.s32 s6, s22;
	[sflag:s25] =	ssyncadd.s32 $0xFFFFC000  }
0x8f: {  	[tilespmem:s26], [sflag:$0x3] =	stream.linear.gather [hbm4b:s6+s5], $0x80, $0x38;
	[tilespmem:$0x1BE00] =	vst v63  }
0x90: {  	_ =	swait.ge [sflag:s25], $0x80  }
0x91: {  	[sflag:s25] =	ssyncset.done $0x0  }
0x92: {  	s18 =	sadd.s32 s17, s22;
	[sflag:s25] =	ssyncadd.s32 $0xFFFFFF80  }
0x93: {  	[tilespmem:s28], [sflag:$0x3] =	stream.linear.gather [hbm4b:s18+s5], $0x80, $0x38;
	[tilespmem:$0x1BE00] =	vst v63  }
0x94: {  	_ =	swait.ge [sflag:s25], $0x80  }
0x95: {  	[sflag:s25] =	ssyncset.done $0x0  }
0x96: {  	[sflag:s25] =	ssyncadd.s32 $0xFFFFFF80  }
0x97: {  	[tilespmem:s24], [sflag:$0x1] =	stream.indirect.gather [hbm4b:s1+s29], $0x80, s26, s29, $0xb8;
	[tilespmem:$0x1BE00] =	vst v63  }
0x98: {  	_ =	swait.ge [sflag:s7], $0x4000  }
0x99: {  	[sflag:s7] =	ssyncset.done $0x0  }
0x9a: {  	[sflag:s7] =	ssyncadd.s32 $0xFFFFC000  }
0x9b: {  	[spmem:s4] =	stream.indirect.scatter.add.f32 [tilespmem:s2], [sflag:$0x3], $0x80, s31, s29, $0xb8;
	[tilespmem:$0x1BE00] =	vst v63  }
0x9c: {  	_ =	swait.ge [sflag:s25], $0x4000  }
0x9d: {  	[sflag:s25] =	ssyncset.done $0x0  }
0x9e: {  	[sflag:s25] =	ssyncadd.s32 $0xFFFFC000  }
0x9f: {  	_ =	swait.ge [sflag:s0], $0x4000  }
0xa0: {  	[sflag:s0] =	ssyncset.done $0x0  }
0xa1: {  	[sflag:s0] =	ssyncadd.s32 $0xFFFFC000  }
0xa2: {  	[bflag:$0x0] =	sbarrier.arrive $0xFFFF  }
0xa3: {  	[tilespmem:s24], [sflag:$0x3] =	stream.linear.gather [spmem:s8], $0x4000, $0x38;
	[tilespmem:$0x1BE00] =	vst v63  }
0xa4: {  	_ =	swait.ge [sflag:s25], $0x4000  }
0xa5: {  	[sflag:s25] =	ssyncset.done $0x0  }
0xa6: {  	s6 =	rddreg [dreg:$0x8];
	[sflag:s25] =	ssyncadd.s32 $0xFFFFC000  }
0xa7: {  	[hbm4b:s6+s5] =	stream.linear.scatter [tilespmem:s24], [sflag:$0x3], $0x4000, $0x38;
	[tilespmem:$0x1BE00] =	vst v63  }
0xa8: {  	_ =	swait.ge [sflag:s25], $0x4000  }
0xa9: {  	[sflag:s25] =	ssyncset.done $0x0  }
0xaa: {  	[sflag:s25] =	ssyncadd.s32 $0xFFFFC000  }
0xab: {  	[tilespmem:s24], [sflag:$0x3] =	stream.linear.gather [spmem:s9], $0x4000, $0x38;
	[tilespmem:$0x1BE00] =	vst v63  }
0xac: {  	_ =	swait.ge [sflag:s25], $0x4000  }
0xad: {  	[sflag:s25] =	ssyncset.done $0x0  }
0xae: {  	s17 =	rddreg [dreg:$0x9];
	[sflag:s25] =	ssyncadd.s32 $0xFFFFC000  }
0xaf: {  	[hbm4b:s17+s5] =	stream.linear.scatter [tilespmem:s24], [sflag:$0x3], $0x4000, $0x38;
	[tilespmem:$0x1BE00] =	vst v63  }
0xb0: {  	_ =	swait.ge [sflag:s25], $0x4000  }
0xb1: {  	[sflag:s25] =	ssyncset.done $0x0  }
0xb2: {  	[sflag:s25] =	ssyncadd.s32 $0xFFFFC000  }
0xb3: {  	[tilespmem:s24], [sflag:$0x3] =	stream.linear.gather [spmem:s10], $0x4000, $0x38;
	[tilespmem:$0x1BE00] =	vst v63  }
0xb4: {  	_ =	swait.ge [sflag:s25], $0x4000  }
0xb5: {  	[sflag:s25] =	ssyncset.done $0x0  }
0xb6: {  	s18 =	rddreg [dreg:$0xa];
	[sflag:s25] =	ssyncadd.s32 $0xFFFFC000  }
0xb7: {  	[hbm4b:s18+s5] =	stream.linear.scatter [tilespmem:s24], [sflag:$0x3], $0x4000, $0x38;
	[tilespmem:$0x1BE00] =	vst v63  }
0xb8: {  	_ =	swait.ge [sflag:s25], $0x4000  }
0xb9: {  	[sflag:s25] =	ssyncset.done $0x0  }
0xba: {  	[sflag:s25] =	ssyncadd.s32 $0xFFFFC000  }
0xbb: {  	[tilespmem:s24], [sflag:$0x3] =	stream.linear.gather [spmem:s11], $0x4000, $0x38;
	[tilespmem:$0x1BE00] =	vst v63  }
0xbc: {  	_ =	swait.ge [sflag:s25], $0x4000  }
0xbd: {  	[sflag:s25] =	ssyncset.done $0x0  }
0xbe: {  	[sflag:s25] =	ssyncadd.s32 $0xFFFFC000  }
0xbf: {  	[hbm4b:s19+s5] =	stream.linear.scatter [tilespmem:s24], [sflag:$0x3], $0x4000, $0x38;
	[tilespmem:$0x1BE00] =	vst v63  }
0xc0: {  	_ =	swait.ge [sflag:s25], $0x4000  }
0xc1: {  	[sflag:s25] =	ssyncset.done $0x0  }
0xc2: {  	[sflag:s25] =	ssyncadd.s32 $0xFFFFC000  }
0xc3: {  	[tilespmem:s24], [sflag:$0x3] =	stream.linear.gather [spmem:s12], $0x3C00, $0x38;
	[tilespmem:$0x1BE00] =	vst v63  }
0xc4: {  	_ =	swait.ge [sflag:s25], $0x3C00  }
0xc5: {  	s14 =	sadd.s32 $0x1, s14;
	[sflag:s25] =	ssyncset.done $0x0  }
0xc6: {  	p0 =	sne.s32 s14, s21;
	[sflag:s25] =	ssyncadd.s32 $0xFFFFC400  }
0xc7: {  	[hbm4b:s20+s5] =	stream.linear.scatter [tilespmem:s24], [sflag:$0x3], $0x3C00, $0x38;
	[tilespmem:$0x1BE00] =	vst v63  }
.Ltmp3:
0xc8: {  	_ = 	snop;
	(pc) =	sbr.rel @p0 .LBB2_1-.Ltmp3, $4  }
.Ltmp4:
0xc9: {  	_ = 	snop;
	(pc) =	sbr.rel @!p0 .LBB2_6-.Ltmp4, $4  }
0xca: {  	_ =	swait.ge [sflag:s25], $0x3C00  }
0xcb: {  	[sflag:s25] =	ssyncset.done $0x0  }
0xcc: {  	[sflag:s25] =	ssyncadd.s32 $0xFFFFC400  }
0xcd: {  	_ = 	snop  }
.LBB2_3:
.Ltmp5:
0xce: {  	(pc) =	sbr.rel .LBB2_5-.Ltmp5, $2  }
0xcf: {  	_ =	sdelay $0x2  }
0xd0: {  	s3 =	smov.u32 s16  }
.LBB2_6:
0xd1: {  	_ =	sfence.sel $0x180000  }
0xd2: {  	[bflag:$0x0] =	sbarrier.arrive $0xFFFF  }
0xd3: {  	_ =	strace $0x90000047  }
0xd4: {  	s0 =	stileid.u32;
	[bflag:$0x2] =	sbarrier.arrive $0xFFFF  }
0xd5: {  	p0 =	sne.s32 s0, $0x0;
	s0 =	rddreg [dreg:$0x4]  }
0xd6: {  	s0 =	sadd.s32 @!p0 $0x100000, s0  }
0xd7: {  	[sflag:s0] =	ssyncadd.tile.s32 @!p0 $0x1;
	_ =	shalt  }
.Lfunc_end2:
_tile_overlayer_lowered:
.L_overlay_start_2:
0xd8: {  	(tag) =	ssettag $0x2  }
0xd9: {  	s0 =	rddreg [dreg:$0x0];
	s2 =	stileid.u32  }
0xda: {  	s1 =	rddreg [dreg:$0x1];
	p0 =	sne.s32 s2, $0x0  }
0xdb: {  	s3 =	rddreg [dreg:$0x2];
	[bflag:$0x3] =	sbarrier.arrive $0xFFFF;
	s2 =	simm.s32 @!p0 $0x1C03  }
0xdc: {  	[timem:s3], [sflag:s2] =	dma.local @!p0 [hbm:s0], s1  }
0xdd: {  	s0 =	simm.s32 @!p0 $0x3  }
0xde: {  	_ =	swait.ge @!p0 [sflag:s0], s1  }
0xdf: {  	s1 =	ssub.s32 @!p0 $0x0, s1;
	[sflag:s0] =	ssyncset.done @!p0 $0x0  }
0xe0: {  	[sflag:s0] =	ssyncadd.s32 @!p0 s1  }
0xe1: {  	[bflag:$0x3] =	sbarrier.arrive $0xFFFF  }
0xe2: {  	_ =	shalt  }

// kernel: kernel.8.cloned.1.call-start
scs
__scs_entry_jumppad:
0x0: {  	(pc) =	sbr.rel $0x88, $3  }
0x1: {  	(tag) =	ssettag $0x0;
	lr =	simm.s32 $0x1  }
0x2: {  	[smem:$0x3F9B] =	sst lr;
	_ =	strace $0xD0000000  }
0x3: {  	_ = 	snop  }
0x4: {  	_ = 	snop  }
0x5: {  	_ = 	snop  }
0x6: {  	_ = 	snop  }
0x7: {  	_ = 	snop  }
__scs_overlays_trampoline_lowered:
0x8: {  	[smem:$0x3FAA] =	sst s0  }
0x9: {  	[smem:$0x3FAB] =	sst s1  }
0xa: {  	[smem:$0x3FAC] =	sst s2  }
0xb: {  	[smem:$0x3FAD] =	sst s3  }
0xc: {  	[smem:$0x3FAE] =	sst s4  }
0xd: {  	[smem:$0x3FAF] =	sst s5  }
0xe: {  	[smem:$0x3FB0] =	sst s6  }
0xf: {  	[smem:$0x3FB1] =	sst s7  }
0x10: {  	[smem:$0x3FB2] =	sst s8  }
0x11: {  	[smem:$0x3FB3] =	sst s9;
	s0 =	simm.s32 @!p0 $0x0  }
0x12: {  	s1 =	sld [smem:$0x3F99];
	s0 =	simm.s32 @p0 $0x1  }
0x13: {  	[smem:$0x3FB4] =	sst s0;
	s0 =	simm.s32 @!p1 $0x0  }
0x14: {  	s2 =	sld [smem:$0x3F98];
	s0 =	simm.s32 @p1 $0x1  }
0x15: {  	[smem:$0x3FB5] =	sst s0;
	s0 =	simm.s32 @!p2 $0x0  }
0x16: {  	s3 =	sld [smem:$0x3FDB];
	s0 =	simm.s32 @p2 $0x1  }
0x17: {  	s4 =	simm.s32 $0x1BF5;
	[smem:$0x3FB7] =	sst s0  }
0x18: {  	s0 =	sld [smem:$0x3F9A];
	_ =	swait.ge [sflag:s4], $0x0  }
0x19: {  	s7 =	sld [smem:$0x3F9B]  }
0x1a: {  	s8 =	sadd.s32 $0xFFFFE003, lr  }
0x1b: {  	s9 =	sadd.s32 $0xFFFFFEF7, lr;
	s5 =	simm.s32 $0xFFFFFFFF;
	p2 =	slt.u32 s8, $0xFFFFF086  }
0x1c: {  	p1 =	slt.u32 s9, $0xF7A;
	s5 =	simm.s32 @!p2 $0x0  }
0x1d: {  	s5 =	simm.s32 @p1 $0x1;
	p0 =	seq.s32 s7, s2  }
0x1e: {  	s7 =	smul.u32 @!p0 $0xF7A, s2;
	p2 =	seq.s32 @!p0 s5, $0x0  }
0x1f: {  	s9 =	smul.u32 $0xF7A, s1;
	s8 =	simm.s32 @!p0 $0x1BF5;
	p2 =	por !p2, p0  }
0x20: {  	[sflag:s8] =	ssyncset.s32 @!p0 $0xFFFFF086;
	s6 =	sadd.s32 @!p0 s3, s7;
	s7 =	simm.s32 @!p0 $0x108  }
0x21: {  	s3 =	sadd.s32 s3, s9;
	s6 =	sadd.s32 @!p0 $0x88, s6;
	s7 =	simm.s32 @p2 $0x1082  }
0x22: {  	[simem:s7], [sflag:s8] =	dma.local @!p0 [hbm:s6], $0xF7A  }
0x23: {  	s9 =	sor.u32 $0xD0000000, s2;
	s6 =	simm.s32 $0x108;
	_ =	swait.ge @!p0 [sflag:s8], $0x0  }
0x24: {  	s3 =	sadd.s32 $0x88, s3;
	s6 =	simm.s32 @!p1 $0x1082;
	[sflag:s4] =	ssyncset.s32 $0xFFFFF086  }
0x25: {  	[simem:s6], [sflag:s4] =	dma.local [hbm:s3], $0xF7A  }
0x26: {  	[smem:$0x3F9B] =	sst s1;
	(tag) =	ssettag s2;
	_ =	strace s9  }
0x27: {  	s1 =	sld [smem:$0x3FAB]  }
0x28: {  	s2 =	sld [smem:$0x3FAC]  }
0x29: {  	s4 =	sld [smem:$0x3FAE]  }
0x2a: {  	p0 =	seq.s32 s5, $0x0;
	s5 =	sld [smem:$0x3FAF]  }
0x2b: {  	s6 =	sld [smem:$0x3FB0]  }
0x2c: {  	s7 =	sld [smem:$0x3FB1]  }
0x2d: {  	s3 =	simm.s32 $0x108;
	s8 =	sld [smem:$0x3FB2]  }
0x2e: {  	s3 =	simm.s32 @!p0 $0x1082;
	s9 =	sld [smem:$0x3FB3]  }
0x2f: {  	lr =	sadd.s32 s0, s3;
	s0 =	sld [smem:$0x3FAA]  }
0x30: {  	s3 =	sld [smem:$0x3FAD]  }
0x31: {  	[smem:$0x3FB6] =	sst s10  }
0x32: {  	s10 =	sld [smem:$0x3FB4];
	_ =	sdelay $0x3  }
0x33: {  	p0 =	seq.s32 s10, $0x1;
	s10 =	sld [smem:$0x3FB6];
	_ =	sdelay $0x3  }
0x34: {  	[smem:$0x3FB6] =	sst s10  }
0x35: {  	s10 =	sld [smem:$0x3FB5];
	_ =	sdelay $0x3  }
0x36: {  	p1 =	seq.s32 s10, $0x1;
	s10 =	sld [smem:$0x3FB6];
	_ =	sdelay $0x3  }
0x37: {  	[smem:$0x3FB6] =	sst s10  }
0x38: {  	s10 =	sld [smem:$0x3FB7]  }
0x39: {  	_ = 	snop;
	(pc) =	sbr.ind lr, $3  }
0x3a: {  	_ = 	snop  }
0x3b: {  	_ = 	snop  }
0x3c: {  	p2 =	seq.s32 s10, $0x1;
	s10 =	sld [smem:$0x3FB6]  }
0x3d: {  	_ =	shalt  }
0x3e: {  	_ =	shalt  }
0x3f: {  	_ =	shalt  }
0x40: {  	_ =	shalt  }
0x41: {  	_ =	shalt  }
0x42: {  	_ =	shalt  }
0x43: {  	_ =	shalt  }
0x44: {  	_ =	shalt  }
0x45: {  	_ =	shalt  }
0x46: {  	_ =	shalt  }
0x47: {  	_ =	shalt  }
0x48: {  	_ =	shalt  }
0x49: {  	_ =	shalt  }
0x4a: {  	_ =	shalt  }
0x4b: {  	_ =	shalt  }
0x4c: {  	_ =	shalt  }
0x4d: {  	_ =	shalt  }
0x4e: {  	_ =	shalt  }
0x4f: {  	_ =	shalt  }
0x50: {  	_ =	shalt  }
0x51: {  	_ =	shalt  }
0x52: {  	_ =	shalt  }
0x53: {  	_ =	shalt  }
0x54: {  	_ =	shalt  }
0x55: {  	_ =	shalt  }
0x56: {  	_ =	shalt  }
0x57: {  	_ =	shalt  }
0x58: {  	_ =	shalt  }
0x59: {  	_ =	shalt  }
0x5a: {  	_ =	shalt  }
0x5b: {  	_ =	shalt  }
0x5c: {  	_ =	shalt  }
0x5d: {  	_ =	shalt  }
0x5e: {  	_ =	shalt  }
0x5f: {  	_ =	shalt  }
0x60: {  	_ =	shalt  }
0x61: {  	_ =	shalt  }
0x62: {  	_ =	shalt  }
0x63: {  	_ =	shalt  }
0x64: {  	_ =	shalt  }
0x65: {  	_ =	shalt  }
0x66: {  	_ =	shalt  }
0x67: {  	_ =	shalt  }
0x68: {  	_ =	shalt  }
0x69: {  	_ =	shalt  }
0x6a: {  	_ =	shalt  }
0x6b: {  	_ =	shalt  }
0x6c: {  	_ =	shalt  }
0x6d: {  	_ =	shalt  }
0x6e: {  	_ =	shalt  }
0x6f: {  	_ =	shalt  }
0x70: {  	_ =	shalt  }
0x71: {  	_ =	shalt  }
0x72: {  	_ =	shalt  }
0x73: {  	_ =	shalt  }
0x74: {  	_ =	shalt  }
0x75: {  	_ =	shalt  }
0x76: {  	_ =	shalt  }
0x77: {  	_ =	shalt  }
0x78: {  	_ =	shalt  }
0x79: {  	_ =	shalt  }
0x7a: {  	_ =	shalt  }
0x7b: {  	_ =	shalt  }
0x7c: {  	_ =	shalt  }
0x7d: {  	_ =	shalt  }
0x7e: {  	_ =	shalt  }
0x7f: {  	_ =	shalt  }
0x80: {  	_ =	shalt  }
0x81: {  	_ =	shalt  }
0x82: {  	_ =	shalt  }
0x83: {  	_ =	shalt  }
0x84: {  	_ =	shalt  }
0x85: {  	_ =	shalt  }
0x86: {  	_ =	shalt  }
0x87: {  	_ =	shalt  }
.Lfunc_end0:
.L_simem_size_0:
called_computation.1_lowered:
.L_overlay_start_0:
0x88: {  	s2 =	sld [smem:$0x3FD9]  }
0x89: {  	s3 =	sld [smem:$0x3FFE];
	_ =	sdelay $0x1  }
0x8a: {  	s1 =	srdreg.scid  }
0x8b: {  	s0 =	sand.u32 $0x1, s1  }
0x8c: {  	s17 =	sshll.u32 s0, $0xA;
	s2 =	sadd.s32 s3, s2  }
0x8d: {  	s2 =	sadd.s32 s2, s17  }
0x8e: {  	[smem:$0x3FC2] =	sst s2  }
0x8f: {  	_ = 	snop  }
0x90: {  	s18 =	sld [smem:$0x3FD0];
	(tm) =	ssettm $0x1  }
0x91: {  	s19 =	sld [smem:$0x3FFB];
	_ =	sdelay $0x3  }
0x92: {  	_ =	strace s19  }
0x93: {  	s2 =	sld [smem:$0x3FFC];
	_ =	sdelay $0x3  }
0x94: {  	_ =	strace s2  }
0x95: {  	s2 =	sld [smem:$0x3FFD];
	_ =	sdelay $0x3  }
0x96: {  	_ =	strace s2  }
0x97: {  	_ =	strace $0x8FFFFFFF  }
0x98: {  	s20 =	sld [smem:$0x3FDB];
	_ =	sdelay $0x1  }
0x99: {  	s4 =	simm.s32 $_scs_section_size  }
0x9a: {  	s5 =	simm.s32 $_size__tile_overlayer_lowered;
	s6 =	simm.s32 $_tile_overlayer_lowered  }
0x9b: {  	s7 =	simm.s32 $0x1BFF;
	s21 =	sshll.u32 s6, $0x1;
	s4 =	sadd.s32 s4, s20  }
0x9c: {  	s22 =	simm.s32 $0x0;
	s5 =	sshll.u32 s5, $0x1;
	s6 =	sadd.s32 s21, s4  }
0x9d: {  	[timem:s22], [sflag:s7] =	dma.local [hbm:s6], s5  }
0x9e: {  	_ =	swait.ge [sflag:s7], s5  }
0x9f: {  	s5 =	ssub.s32 $0x0, s5;
	[sflag:s7] =	ssyncset.done $0x0  }
0xa0: {  	[sflag:s7] =	ssyncadd.s32 s5;
	_ =	sdelay $0x1  }
0xa1: {  	s23 =	simm.s32 $0x1B8B  }
0xa2: {  	_ =	swait.ge [sflag:s23], $0x1  }
0xa3: {  	[sflag:s23] =	ssyncset.done $0x0  }
0xa4: {  	[sflag:s23] =	ssyncadd.s32 $0xFFFFFFFF  }
0xa5: {  	s5 =	sld [smem:$0x0]  }
0xa6: {  	s6 =	sand.u32 $0xFFFFFFFE, s1  }
0xa7: {  	p0 =	sne.s32 s1, s6  }
0xa8: {  	s6 =	sshll.u32 @p0 s6, $0xE  }
0xa9: {  	s6 =	sadd.s32 @p0 $0x11B8D, s6;
	s7 =	sshll.u32 @p0 s5, $0x11  }
0xaa: {  	s6 =	sor.u32 @p0 s7, s6  }
0xab: {  	[sflag:s6] =	ssyncadd.remote.s32 @p0 $0x1;
	_ =	sdelay $0x1  }
0xac: {  	s6 =	simm.s32 @p0 $0x1B8D  }
0xad: {  	_ =	swait.eq @p0 [sflag:s6], $0x1  }
0xae: {  	[sflag:s6] =	ssyncadd.s32 @p0 $0xFFFFFFFF  }
0xaf: {  	s7 =	sshll.u32 @!p0 s1, $0xE  }
0xb0: {  	s7 =	sor.u32 @!p0 $0x4000, s7;
	s6 =	simm.s32 @!p0 $0x1B8D  }
0xb1: {  	s5 =	sshll.u32 @!p0 s5, $0x11;
	s7 =	sadd.s32 @!p0 $0x11B8D, s7;
	_ =	swait.eq @!p0 [sflag:s6], $0x1  }
0xb2: {  	s5 =	sor.u32 @!p0 s5, s7;
	[sflag:s6] =	ssyncadd.s32 @!p0 $0xFFFFFFFF  }
0xb3: {  	s25 =	simm.s32 $0x1B8E;
	s24 =	sld [smem:$0x3FFE];
	[sflag:s5] =	ssyncadd.remote.s32 @!p0 $0x1  }
0xb4: {  	s26 =	simm.s32 $execute0_lowered;
	[smem:$0x3FD2] =	sst s25  }
0xb5: {  	s6 =	sshll.u32 s26, $0x1;
	_ =	strace $0x80000049;
	[dreg:$0x1] =	wrdreg $0xFFFFFFFF  }
0xb6: {  	s28 =	simm.s32 $_size_execute0_lowered;
	s4 =	sadd.s32 s4, s6;
	[dreg:$0x0] =	wrdreg $0x0  }
0xb7: {  	s6 =	sshll.u32 s28, $0x1;
	[dreg:$0x2] =	wrdreg s4  }
0xb8: {  	[dreg:$0x3] =	wrdreg s6  }
0xb9: {  	[dreg:$0x4] =	wrdreg $0xC0  }
0xba: {  	_ =	task [dreg:s22], $0x5FFFF  }
0xbb: {  	[dreg:$0x1] =	wrdreg $0xFFFFFFFF  }
0xbc: {  	[dreg:$0x0] =	wrdreg $0x60  }
0xbd: {  	[dreg:$0x2] =	wrdreg s18  }
0xbe: {  	[dreg:$0x3] =	wrdreg s24  }
0xbf: {  	[dreg:$0x4] =	wrdreg $0x0  }
0xc0: {  	[dreg:$0x5] =	wrdreg $0xA  }
0xc1: {  	_ =	task.clear_ibuf [dreg:s22], $0x6FFFF;
	_ =	strace $0x90000049  }
0xc2: {  	s29 =	simm.s32 $0xA;
	_ =	strace $0x8000004B  }
0xc3: {  	_ =	swait.ge [sflag:s29], $0x1  }
0xc4: {  	[sflag:s29] =	ssyncadd.s32 $0xFFFFFFFF  }
0xc5: {  	_ =	strace $0x9000004B  }
0xc6: {  	_ =	sfence  }
0xc7: {  	s30 =	sld [smem:$0x0];
	_ =	sdelay $0x2  }
0xc8: {  	s31 =	sshll.u32 s1, $0xD;
	s1 =	sshrl.u32 s1, $0x2  }
0xc9: {  	s4 =	sand.u32 $0x4000, s31;
	s1 =	sadd.s32 s1, s30  }
0xca: {  	s0 =	sor.u32 s4, s0;
	s1 =	sshll.u32 s1, $0x11  }
0xcb: {  	s0 =	sor.u32 s1, s0  }
0xcc: {  	s0 =	sadd.s32 $0x8F2B, s0  }
0xcd: {  	[sflag:s0] =	ssyncadd.remote.s32 $0x1  }
0xce: {  	_ =	sfence.sel $0xFFFF  }
0xcf: {  	[dreg:$0x0] =	wrdreg $0xFFFFFFFF;
	(pc) =	sbr.abs _section_cstart, $3  }
0xd0: {  	[dreg:$0x1] =	wrdreg $0xFFFFFFFF  }
0xd1: {  	_ =	task.clear_ibuf [dreg:s22], $0x2FFFF;
	_ =	strace $0x9FFFFFFF  }
0xd2: {  	(tm) =	ssettm $0x7FFFFFFF  }
0xd3: {  	_ =	shalt  }
tec
execute0_lowered:
.L_overlay_start_1:
0x0: {  	(tag) =	ssettag $0x1  }
0x1: {  	s17 =	rddreg [dreg:$0x0]  }
0x2: {  	s7 =	rddreg [dreg:$0x1];
	s1 =	srdreg.scid  }
0x3: {  	s0 =	stileid.u32;
	s2 =	rddreg [dreg:$0x2];
	s3 =	simm.s32 $0x0  }
0x4: {  	s20 =	simm.s32 $0x13C00;
	s21 =	simm.s32 $0x80;
	s6 =	smul.u32 $0x278, s0  }
0x5: {  	s13 =	sand.u32 $0x1, s1;
	s1 =	rddreg [dreg:$0x3];
	s9 =	smul.u32 $0x4F000, s0  }
0x6: {  	s22 =	simm.s32 $0x0;
	[smem:$0x7FF] =	sst s3;
	s19 =	smul.u32 $0x500, s0  }
0x7: {  	s4 =	sadd.s32 $0xB400, s7;
	s5 =	sadd.s32 $0x5AC00, s7;
	s8 =	smul.u32 $0x2780, s13  }
0x8: {  	_ =	strace $0x8000004A;
	s31 =	ssub.s32 $0x2, s13;
	s18 =	smul.u32 $0x5000, s13  }
0x9: {  	s9 =	sshrl.u32 s9, $0x2;
	s11 =	sshrl.u32 s31, $0x1;
	s6 =	sadd.s32 s6, s8  }
0xa: {  	s16 =	ssub.s32 s31, s11;
	s17 =	sadd.s32 s18, s17;
	s18 =	simm.s32 $0x13C80  }
0xb: {  	s10 =	sshll.u32 s6, $0x4;
	s6 =	sadd.s32 s9, s2;
	s16 =	smax.u32 s16, $0x1  }
0xc: {  	s17 =	sadd.s32 s19, s17;
	s19 =	simm.s32 $0x1;
	s15 =	sadd.s32 s10, s7  }
0xd: {  	s7 =	sadd.s32 $0x4000, s6;
	s8 =	sadd.s32 $0x8000, s6;
	s9 =	sadd.s32 $0xC000, s6  }
0xe: {  	s10 =	sadd.s32 $0x10000, s6;
	s11 =	sadd.s32 $0x5B400, s15;
	s12 =	sadd.s32 $0x5BC00, s15  }
0xf: {  	s13 =	sadd.s32 $0x5C400, s15;
	s14 =	sadd.s32 $0x5CC00, s15;
	s15 =	sadd.s32 $0x5D400, s15  }
.LBB2_1:
0x10: {  	[tilespmem:s18], [sflag:$0x1] =	stream.linear.gather [hbm4b:s4+s3], $0x4000, $0x38;
	[tilespmem:$0x17C80] =	vst v63  }
0x11: {  	_ =	swait.ge [sflag:s19], $0x4000  }
0x12: {  	[sflag:s19] =	ssyncset.done $0x0  }
0x13: {  	[sflag:s19] =	ssyncadd.s32 $0xFFFFC000  }
0x14: {  	[spmem:s6] =	stream.linear.scatter [tilespmem:s18], [sflag:$0x1], $0x4000, $0x38;
	[tilespmem:$0x17C80] =	vst v63  }
0x15: {  	_ =	swait.ge [sflag:s19], $0x4000  }
0x16: {  	[sflag:s19] =	ssyncset.done $0x0  }
0x17: {  	[sflag:s19] =	ssyncadd.s32 $0xFFFFC000  }
0x18: {  	[spmem:s7] =	stream.linear.scatter [tilespmem:s18], [sflag:$0x1], $0x4000, $0x38;
	[tilespmem:$0x17C80] =	vst v63  }
0x19: {  	_ =	swait.ge [sflag:s19], $0x4000  }
0x1a: {  	[sflag:s19] =	ssyncset.done $0x0  }
0x1b: {  	[sflag:s19] =	ssyncadd.s32 $0xFFFFC000  }
0x1c: {  	[spmem:s8] =	stream.linear.scatter [tilespmem:s18], [sflag:$0x1], $0x4000, $0x38;
	[tilespmem:$0x17C80] =	vst v63  }
0x1d: {  	_ =	swait.ge [sflag:s19], $0x4000  }
0x1e: {  	[sflag:s19] =	ssyncset.done $0x0  }
0x1f: {  	[sflag:s19] =	ssyncadd.s32 $0xFFFFC000  }
0x20: {  	[spmem:s9] =	stream.linear.scatter [tilespmem:s18], [sflag:$0x1], $0x4000, $0x38;
	[tilespmem:$0x17C80] =	vst v63  }
0x21: {  	_ =	swait.ge [sflag:s19], $0x4000  }
0x22: {  	[sflag:s19] =	ssyncset.done $0x0  }
0x23: {  	[sflag:s19] =	ssyncadd.s32 $0xFFFFC000  }
0x24: {  	[spmem:s10] =	stream.linear.scatter [tilespmem:s18], [sflag:$0x1], $0x3C00, $0x38;
	[tilespmem:$0x17C80] =	vst v63  }
0x25: {  	_ =	swait.ge [sflag:s19], $0x3C00  }
0x26: {  	[sflag:s19] =	ssyncset.done $0x0  }
0x27: {  	[sflag:s19] =	ssyncadd.s32 $0xFFFFC400  }
0x28: {  	[tilespmem:s18], [sflag:$0x1] =	stream.linear.gather [hbm4b:s5+s3], $0x4000, $0x38;
	[tilespmem:$0x17C80] =	vst v63  }
0x29: {  	_ =	swait.ge [sflag:s19], $0x4000  }
0x2a: {  	[sflag:s19] =	ssyncset.done $0x0  }
0x2b: {  	[sflag:s19] =	ssyncadd.s32 $0xFFFFC000  }
0x2c: {  	s23 =	sadd.s32 $0x0, s17;
	[bflag:$0x0] =	sbarrier.arrive $0xFFFF  }
0x2d: {  	[tilespmem:s20], [sflag:$0x1] =	stream.linear.gather [hbm4b:s23+s3], $0x80, $0x38;
	[tilespmem:$0x17C80] =	vst v63  }
0x2e: {  	_ =	swait.ge [sflag:s19], $0x80  }
0x2f: {  	[sflag:s19] =	ssyncset.done $0x0  }
0x30: {  	[sflag:s19] =	ssyncadd.s32 $0xFFFFFF80  }
0x31: {  	[spmem:s2] =	stream.indirect.scatter.add.f32 [tilespmem:s18], [sflag:$0x1], $0x80, s20, s21, $0xb8;
	[tilespmem:$0x17C80] =	vst v63  }
0x32: {  	_ =	swait.ge [sflag:s19], $0x4000  }
0x33: {  	s24 =	simm.s32 $0x20;
	s23 =	simm.s32 $0x10;
	[sflag:s19] =	ssyncset.done $0x0  }
.LBB2_2:
0x34: {  	s25 =	sadd.s32 s23, s17  }
0x35: {  	[sflag:s19] =	ssyncadd.s32 $0xFFFFC000;
	s23 =	smov.u32 s24;
	s26 =	sadd.s32 $0x10, s24  }
0x36: {  	[tilespmem:s20], [sflag:$0x1] =	stream.linear.gather [hbm4b:s25+s3], $0x80, $0x38;
	[tilespmem:$0x17C80] =	vst v63  }
0x37: {  	p0 =	sne.s32 s24, $0x4F0;
	_ =	swait.ge [sflag:s19], $0x80  }
.Ltmp0:
0x38: {  	[sflag:s19] =	ssyncset.done $0x0;
	(pc) =	sbr.rel @p0 .LBB2_2-.Ltmp0, $4  }
0x39: {  	[sflag:s19] =	ssyncadd.s32 $0xFFFFFF80  }
0x3a: {  	[spmem:s2] =	stream.indirect.scatter.add.f32 [tilespmem:s18], [sflag:$0x1], $0x80, s20, s21, $0xb8;
	[tilespmem:$0x17C80] =	vst v63  }
0x3b: {  	_ =	swait.ge [sflag:s19], $0x4000  }
0x3c: {  	s24 =	smov.u32 s26;
	[sflag:s19] =	ssyncset.done $0x0  }
0x3d: {  	s23 =	sadd.s32 s23, s17;
	[sflag:s19] =	ssyncadd.s32 $0xFFFFC000  }
0x3e: {  	[tilespmem:s20], [sflag:$0x1] =	stream.linear.gather [hbm4b:s23+s3], $0x80, $0x38;
	[tilespmem:$0x17C80] =	vst v63  }
0x3f: {  	_ =	swait.ge [sflag:s19], $0x80  }
0x40: {  	[sflag:s19] =	ssyncset.done $0x0  }
0x41: {  	[sflag:s19] =	ssyncadd.s32 $0xFFFFFF80  }
0x42: {  	[spmem:s2] =	stream.indirect.scatter.add.f32 [tilespmem:s18], [sflag:$0x1], $0x80, s20, s21, $0xb8;
	[tilespmem:$0x17C80] =	vst v63  }
0x43: {  	_ =	swait.ge [sflag:s19], $0x4000  }
0x44: {  	[sflag:s19] =	ssyncset.done $0x0  }
0x45: {  	[sflag:s19] =	ssyncadd.s32 $0xFFFFC000  }
0x46: {  	[bflag:$0x0] =	sbarrier.arrive $0xFFFF  }
0x47: {  	[tilespmem:s18], [sflag:$0x1] =	stream.linear.gather [spmem:s6], $0x4000, $0x38;
	[tilespmem:$0x17C80] =	vst v63  }
0x48: {  	_ =	swait.ge [sflag:s19], $0x4000  }
0x49: {  	[sflag:s19] =	ssyncset.done $0x0  }
0x4a: {  	[sflag:s19] =	ssyncadd.s32 $0xFFFFC000  }
0x4b: {  	[hbm4b:s11+s3] =	stream.linear.scatter [tilespmem:s18], [sflag:$0x1], $0x4000, $0x38;
	[tilespmem:$0x17C80] =	vst v63  }
0x4c: {  	_ =	swait.ge [sflag:s19], $0x4000  }
0x4d: {  	[sflag:s19] =	ssyncset.done $0x0  }
0x4e: {  	[sflag:s19] =	ssyncadd.s32 $0xFFFFC000  }
0x4f: {  	[tilespmem:s18], [sflag:$0x1] =	stream.linear.gather [spmem:s7], $0x4000, $0x38;
	[tilespmem:$0x17C80] =	vst v63  }
0x50: {  	_ =	swait.ge [sflag:s19], $0x4000  }
0x51: {  	[sflag:s19] =	ssyncset.done $0x0  }
0x52: {  	[sflag:s19] =	ssyncadd.s32 $0xFFFFC000  }
0x53: {  	[hbm4b:s12+s3] =	stream.linear.scatter [tilespmem:s18], [sflag:$0x1], $0x4000, $0x38;
	[tilespmem:$0x17C80] =	vst v63  }
0x54: {  	_ =	swait.ge [sflag:s19], $0x4000  }
0x55: {  	[sflag:s19] =	ssyncset.done $0x0  }
0x56: {  	[sflag:s19] =	ssyncadd.s32 $0xFFFFC000  }
0x57: {  	[tilespmem:s18], [sflag:$0x1] =	stream.linear.gather [spmem:s8], $0x4000, $0x38;
	[tilespmem:$0x17C80] =	vst v63  }
0x58: {  	_ =	swait.ge [sflag:s19], $0x4000  }
0x59: {  	[sflag:s19] =	ssyncset.done $0x0  }
0x5a: {  	[sflag:s19] =	ssyncadd.s32 $0xFFFFC000  }
0x5b: {  	[hbm4b:s13+s3] =	stream.linear.scatter [tilespmem:s18], [sflag:$0x1], $0x4000, $0x38;
	[tilespmem:$0x17C80] =	vst v63  }
0x5c: {  	_ =	swait.ge [sflag:s19], $0x4000  }
0x5d: {  	[sflag:s19] =	ssyncset.done $0x0  }
0x5e: {  	[sflag:s19] =	ssyncadd.s32 $0xFFFFC000  }
0x5f: {  	[tilespmem:s18], [sflag:$0x1] =	stream.linear.gather [spmem:s9], $0x4000, $0x38;
	[tilespmem:$0x17C80] =	vst v63  }
0x60: {  	_ =	swait.ge [sflag:s19], $0x4000  }
0x61: {  	[sflag:s19] =	ssyncset.done $0x0  }
0x62: {  	[sflag:s19] =	ssyncadd.s32 $0xFFFFC000  }
0x63: {  	[hbm4b:s14+s3] =	stream.linear.scatter [tilespmem:s18], [sflag:$0x1], $0x4000, $0x38;
	[tilespmem:$0x17C80] =	vst v63  }
0x64: {  	_ =	swait.ge [sflag:s19], $0x4000  }
0x65: {  	[sflag:s19] =	ssyncset.done $0x0  }
0x66: {  	[sflag:s19] =	ssyncadd.s32 $0xFFFFC000  }
0x67: {  	[tilespmem:s18], [sflag:$0x1] =	stream.linear.gather [spmem:s10], $0x3C00, $0x38;
	[tilespmem:$0x17C80] =	vst v63  }
0x68: {  	s22 =	sadd.s32 $0x1, s22;
	_ =	swait.ge [sflag:s19], $0x3C00  }
0x69: {  	p0 =	sne.s32 s22, s16;
	[sflag:s19] =	ssyncset.done $0x0  }
.Ltmp1:
0x6a: {  	[sflag:s19] =	ssyncadd.s32 $0xFFFFC400;
	(pc) =	sbr.rel @p0 .LBB2_1-.Ltmp1, $4  }
0x6b: {  	[hbm4b:s15+s3] =	stream.linear.scatter [tilespmem:s18], [sflag:$0x1], $0x3C00, $0x38;
	[tilespmem:$0x17C80] =	vst v63  }
0x6c: {  	_ =	swait.ge [sflag:s19], $0x3C00  }
0x6d: {  	[sflag:s19] =	ssyncset.done $0x0  }
0x6e: {  	[sflag:s19] =	ssyncadd.s32 $0xFFFFC400  }
0x6f: {  	_ =	sfence.sel $0x180000  }
0x70: {  	[bflag:$0x0] =	sbarrier.arrive $0xFFFF  }
0x71: {  	p0 =	sne.s32 s0, $0x0;
	_ =	strace $0x9000004A  }
0x72: {  	s0 =	sadd.s32 @!p0 $0x100000, s1;
	[bflag:$0x2] =	sbarrier.arrive $0xFFFF  }
0x73: {  	[sflag:s0] =	ssyncadd.tile.s32 @!p0 $0x1;
	_ =	shalt  }
.Lfunc_end2:
_tile_overlayer_lowered:
.L_overlay_start_2:
0x74: {  	(tag) =	ssettag $0x2  }
0x75: {  	s0 =	rddreg [dreg:$0x0];
	s2 =	stileid.u32  }
0x76: {  	s1 =	rddreg [dreg:$0x1];
	p0 =	sne.s32 s2, $0x0  }
0x77: {  	s3 =	rddreg [dreg:$0x2];
	[bflag:$0x3] =	sbarrier.arrive $0xFFFF;
	s2 =	simm.s32 @!p0 $0x1C01  }
0x78: {  	[timem:s3], [sflag:s2] =	dma.local @!p0 [hbm:s0], s1  }
0x79: {  	s0 =	simm.s32 @!p0 $0x1  }
0x7a: {  	_ =	swait.ge @!p0 [sflag:s0], s1  }
0x7b: {  	s1 =	ssub.s32 @!p0 $0x0, s1;
	[sflag:s0] =	ssyncset.done @!p0 $0x0  }
0x7c: {  	[sflag:s0] =	ssyncadd.s32 @!p0 s1  }
0x7d: {  	[bflag:$0x3] =	sbarrier.arrive $0xFFFF  }
0x7e: {  	_ =	shalt  }

</sc_bundles>
